<compile_context>
chip_gen: v7x
topology: tpu7x:2x2x1
jax: 0.10.2.dev20260603
libtpu: 0.0.44.dev20260713+nightly
codegen_flags: <defaults>
</compile_context>

<pallas_src>
import functools

import jax
import jax.numpy as jnp
from jax import lax
from jax.experimental import pallas as pl
from jax.experimental.pallas import tpu as pltpu
from jax.experimental.pallas import tpu_sc as plsc

D = 64
L = 16
NC = 2
NS = 16
NW = NC * NS
CHUNK = 128


def _rsqrt_newton(x):
    xi = lax.bitcast_convert_type(x, jnp.int32)
    yi = jnp.int32(0x5F3759DF) - lax.shift_right_logical(xi, 1)
    y = lax.bitcast_convert_type(yi, jnp.float32)
    xh = x * jnp.float32(0.5)
    for _ in range(3):
        y = y * (jnp.float32(1.5) - xh * y * y)
    return y


def _l2_normalize_rows(buf, n_rows):

    @plsc.parallel_loop(0, n_rows, unroll=8)
    def _(i):
        v = [buf[i, pl.ds(L * k, L)] for k in range(D // L)]
        ss = v[0] * v[0]
        for k in range(1, D // L):
            ss = ss + v[k] * v[k]
        s = jnp.maximum(jnp.sum(ss), jnp.float32(1e-12))
        y = _rsqrt_newton(jnp.full((L,), s, dtype=jnp.float32))
        for k in range(D // L):
            buf[i, pl.ds(L * k, L)] = v[k] * y


def kernel(inputs, embeddings):
    batch, hist = inputs.shape
    vocab = embeddings.shape[0]
    n_total = batch * hist
    per_w = n_total // NW
    n_ch = per_w // CHUNK
    idx = inputs.astype(jnp.int32).reshape(NW, n_ch, CHUNK)

    mesh = plsc.VectorSubcoreMesh(core_axis_name="c", subcore_axis_name="s")

    @functools.partial(
        pl.kernel,
        out_type=jax.ShapeDtypeStruct((n_total, D), jnp.float32),
        mesh=mesh,
        scratch_types=[
            pltpu.VMEM((n_ch, CHUNK), jnp.int32),
            pltpu.VMEM((2, CHUNK, D), jnp.float32),
            pltpu.SemaphoreType.DMA,
        ],
        compiler_params=pltpu.CompilerParams(
            needs_layout_passes=False, use_tc_tiling_on_sc=False
        ),
    )
    def sc_kernel(table_hbm, idx_hbm, out_hbm, idx_v, buf, sem):
        wid = lax.axis_index("s") * NC + lax.axis_index("c")
        pltpu.sync_copy(idx_hbm.at[wid], idx_v)
        base = wid * per_w

        def gather(j, slot):
            pltpu.async_copy(table_hbm.at[idx_v.at[j]], buf.at[slot], sem)

        gather(0, 0)

        def chunk_body(j, carry):
            slot = lax.rem(j, 2)

            @pl.when(j + 1 < n_ch)
            def _():
                gather(j + 1, 1 - slot)

            pltpu.make_async_copy(
                table_hbm.at[pl.ds(0, CHUNK)], buf.at[slot], sem
            ).wait()
            _l2_normalize_rows(buf.at[slot], CHUNK)
            pltpu.sync_copy(
                buf.at[slot], out_hbm.at[pl.ds(base + j * CHUNK, CHUNK)]
            )
            return carry

        lax.fori_loop(0, n_ch, chunk_body, 0)

    out = sc_kernel(embeddings, idx)
    return out.reshape(batch, hist, D)

# --- scband reference (transcript-rebuilt; emitter-appended) ---
"""Pipeline reference for scband-relation-layer-9363028706262 (READ-ONLY COPY).

The authoritative reference and input builder live on the scoring server;
editing this copy changes nothing except your own understanding.
"""

import jax, jax.numpy as jnp
import numpy as np

VOCAB = 1000000
EMBED_DIM = 64
BATCH = 4096
HIST = 50

def setup_inputs(seed: int = 0) -> dict:
    key = jax.random.key(seed)
    k1, k2 = jax.random.split(key)
    inputs = jax.random.randint(k1, (BATCH, HIST), 0, VOCAB, dtype=jnp.int64)
    # embeddings initialized uniform (keras default 'uniform' -> U(-0.05, 0.05))
    embeddings = jax.random.uniform(k2, (VOCAB, EMBED_DIM), dtype=jnp.float32, minval=-0.05, maxval=0.05)
    return {"inputs": inputs, "embeddings": embeddings}

def reference(inputs, embeddings):
    # build() applies tf.math.l2_normalize(embeddings, axis=1) before lookup
    norm = jnp.sqrt(jnp.maximum(jnp.sum(embeddings * embeddings, axis=1, keepdims=True), 1e-12))
    emb_normed = embeddings / norm
    # embedding_ops.embedding_lookup -> gather rows
    out = jnp.take(emb_normed, inputs, axis=0)
    return out

if __name__ == "__main__":
    import jax
    _d = setup_inputs()
    print(jax.jit(kernel)(*tuple(_d.values())))

</pallas_src>

<mosaic_0001>
#map = affine_map<(d0, d1) -> (0, 0)>
#map1 = affine_map<(d0, d1) -> (0, 0, 0)>
module attributes {stable_mosaic.version = 14 : i64} {
  func.func @sc_kernel(%arg0: i32, %arg1: i32, %arg2: memref<1000000x64xf32, #tpu.memory_space<hbm>>, %arg3: memref<32x50x128xi32, #tpu.memory_space<hbm>>, %arg4: memref<204800x64xf32, #tpu.memory_space<hbm>>, %arg5: memref<50x128xi32, #tpu.memory_space<vmem>>, %arg6: memref<2x128x64xf32, #tpu.memory_space<vmem>>, %arg7: memref<!tpu.dma_semaphore, #tpu.memory_space<semaphore_mem>>) attributes {dimension_semantics = [#tpu.dimension_semantics<core_parallel>, #tpu.dimension_semantics<subcore_parallel>], iteration_bounds = array<i64: 2, 16>, scalar_prefetch = 0 : i64, scratch_operands = 3 : i64, tpu.core_type = #tpu.core_type<sc_vector_subcore>, window_params = [{transform_indices = #map}, {transform_indices = #map1}, {transform_indices = #map}]} {
    %mul3A = arith.constant 2 : i32
    %mul3A_0 = arith.muli %arg1, %mul3A : i32
    %add3A = arith.addi %mul3A_0, %arg0 : i32
    "tpu.region"() ({
      %run_scoped3A = tpu.sem_alloc : memref<!tpu.dma_semaphore, #tpu.memory_space<semaphore_mem>>
      %dma_start3A_19 = arith.constant 0 : i32
      %dma_start3A_20 = arith.constant 0 : i32
      %dma_start3A_21 = tpu.memref_slice %arg3[%add3A, %dma_start3A_19, %dma_start3A_20] : memref<32x50x128xi32, #tpu.memory_space<hbm>> -> memref<1x50x128xi32, #tpu.memory_space<hbm>>
      %dma_start3A_22 = tpu.memref_squeeze %dma_start3A_21 : memref<1x50x128xi32, #tpu.memory_space<hbm>> -> memref<50x128xi32, #tpu.memory_space<hbm>>
      %dma_start3A_23 = arith.constant 0 : i32
      %dma_start3A_24 = arith.constant 0 : i32
      %dma_start3A_25 = tpu.memref_slice %arg3[%add3A, %dma_start3A_23, %dma_start3A_24] : memref<32x50x128xi32, #tpu.memory_space<hbm>> -> memref<1x50x128xi32, #tpu.memory_space<hbm>>
      %dma_start3A_26 = tpu.memref_squeeze %dma_start3A_25 : memref<1x50x128xi32, #tpu.memory_space<hbm>> -> memref<50x128xi32, #tpu.memory_space<hbm>>
      tpu.enqueue_dma source(%dma_start3A_26 : memref<50x128xi32, #tpu.memory_space<hbm>>) target(%arg5 : memref<50x128xi32, #tpu.memory_space<vmem>>) target_semaphore(%run_scoped3A : memref<!tpu.dma_semaphore, #tpu.memory_space<semaphore_mem>>)
      %dma_wait3A = arith.constant 0 : i32
      %dma_wait3A_27 = arith.constant 0 : i32
      %dma_wait3A_28 = tpu.memref_slice %arg3[%add3A, %dma_wait3A, %dma_wait3A_27] : memref<32x50x128xi32, #tpu.memory_space<hbm>> -> memref<1x50x128xi32, #tpu.memory_space<hbm>>
      %dma_wait3A_29 = tpu.memref_squeeze %dma_wait3A_28 : memref<1x50x128xi32, #tpu.memory_space<hbm>> -> memref<50x128xi32, #tpu.memory_space<hbm>>
      %dma_wait3A_30 = arith.constant 0 : i32
      %dma_wait3A_31 = arith.constant 0 : i32
      %dma_wait3A_32 = tpu.memref_slice %arg3[%add3A, %dma_wait3A_30, %dma_wait3A_31] : memref<32x50x128xi32, #tpu.memory_space<hbm>> -> memref<1x50x128xi32, #tpu.memory_space<hbm>>
      %dma_wait3A_33 = tpu.memref_squeeze %dma_wait3A_32 : memref<1x50x128xi32, #tpu.memory_space<hbm>> -> memref<50x128xi32, #tpu.memory_space<hbm>>
      tpu.wait_dma2 semaphore(%run_scoped3A : memref<!tpu.dma_semaphore, #tpu.memory_space<semaphore_mem>>) src(%dma_wait3A_33 : memref<50x128xi32, #tpu.memory_space<hbm>>) dst(%arg5 : memref<50x128xi32, #tpu.memory_space<vmem>>)
      tpu.yield
    }) : () -> ()
    %mul3A_1 = arith.constant 6400 : i32
    %mul3A_2 = arith.muli %add3A, %mul3A_1 : i32
    %dma_start3A = arith.constant 0 : i32
    %dma_start3A_3 = arith.constant 0 : i32
    %dma_start3A_4 = arith.constant 0 : i32
    %dma_start3A_5 = arith.constant 0 : i32
    %dma_start3A_6 = tpu.memref_slice %arg6[%dma_start3A_3, %dma_start3A_4, %dma_start3A_5] : memref<2x128x64xf32, #tpu.memory_space<vmem>> -> memref<1x128x64xf32, #tpu.memory_space<vmem>>
    %dma_start3A_7 = tpu.memref_squeeze %dma_start3A_6 : memref<1x128x64xf32, #tpu.memory_space<vmem>> -> memref<128x64xf32, #tpu.memory_space<vmem>>
    %dma_start3A_8 = arith.constant 0 : i32
    %dma_start3A_9 = tpu.memref_slice %arg5[%dma_start3A, %dma_start3A_8] : memref<50x128xi32, #tpu.memory_space<vmem>> -> memref<1x128xi32, #tpu.memory_space<vmem>>
    %dma_start3A_10 = tpu.memref_squeeze %dma_start3A_9 : memref<1x128xi32, #tpu.memory_space<vmem>> -> memref<128xi32, #tpu.memory_space<vmem>>
    %dma_start3A_11 = arith.constant 0 : i32
    %dma_start3A_12 = arith.constant 0 : i32
    %dma_start3A_13 = tpu.memref_slice %arg2[%dma_start3A_11, %dma_start3A_12] : memref<1000000x64xf32, #tpu.memory_space<hbm>> -> memref<1000000x64xf32, #tpu.memory_space<hbm>>
    tpu.enqueue_indirect_dma source(%dma_start3A_13 : memref<1000000x64xf32, #tpu.memory_space<hbm>>) target(%dma_start3A_7 : memref<128x64xf32, #tpu.memory_space<vmem>>) offsets(%dma_start3A_10 : memref<128xi32, #tpu.memory_space<vmem>>) semaphore(%arg7 : memref<!tpu.dma_semaphore, #tpu.memory_space<semaphore_mem>>)
    %scan3A = arith.constant 0 : i32
    %scan3A_14 = arith.constant 0 : i32
    %scan3A_15 = arith.constant 50 : i32
    %scan3A_16 = arith.addi %scan3A_14, %scan3A_15 : i32
    %scan3A_17 = arith.constant 1 : i32
    scf.for %scan3A_19 = %scan3A_14 to %scan3A_16 step %scan3A_17  : i32 {
      %rem3A = arith.constant 2 : i32
      %rem3A_20 = arith.remsi %scan3A_19, %rem3A : i32
      %add3A_21 = arith.constant 1 : i32
      %add3A_22 = arith.addi %scan3A_19, %add3A_21 : i32
      %lt3A = arith.constant 50 : i32
      %lt3A_23 = arith.cmpi slt, %add3A_22, %lt3A : i32
      %convert_element_type3A = arith.extui %lt3A_23 : i1 to i32
      %cond3A = arith.constant 0 : i32
      %cond3A_24 = arith.cmpi ne, %convert_element_type3A, %cond3A : i32
      scf.if %cond3A_24 {
        %add3A_43 = arith.constant 1 : i32
        %add3A_44 = arith.addi %scan3A_19, %add3A_43 : i32
        %sub3A = arith.constant 1 : i32
        %sub3A_45 = arith.subi %sub3A, %rem3A_20 : i32
        %dma_start3A_46 = arith.constant 0 : i32
        %dma_start3A_47 = arith.constant 0 : i32
        %dma_start3A_48 = tpu.memref_slice %arg6[%sub3A_45, %dma_start3A_46, %dma_start3A_47] : memref<2x128x64xf32, #tpu.memory_space<vmem>> -> memref<1x128x64xf32, #tpu.memory_space<vmem>>
        %dma_start3A_49 = tpu.memref_squeeze %dma_start3A_48 : memref<1x128x64xf32, #tpu.memory_space<vmem>> -> memref<128x64xf32, #tpu.memory_space<vmem>>
        %dma_start3A_50 = arith.constant 0 : i32
        %dma_start3A_51 = tpu.memref_slice %arg5[%add3A_44, %dma_start3A_50] : memref<50x128xi32, #tpu.memory_space<vmem>> -> memref<1x128xi32, #tpu.memory_space<vmem>>
        %dma_start3A_52 = tpu.memref_squeeze %dma_start3A_51 : memref<1x128xi32, #tpu.memory_space<vmem>> -> memref<128xi32, #tpu.memory_space<vmem>>
        %dma_start3A_53 = arith.constant 0 : i32
        %dma_start3A_54 = arith.constant 0 : i32
        %dma_start3A_55 = tpu.memref_slice %arg2[%dma_start3A_53, %dma_start3A_54] : memref<1000000x64xf32, #tpu.memory_space<hbm>> -> memref<1000000x64xf32, #tpu.memory_space<hbm>>
        tpu.enqueue_indirect_dma source(%dma_start3A_55 : memref<1000000x64xf32, #tpu.memory_space<hbm>>) target(%dma_start3A_49 : memref<128x64xf32, #tpu.memory_space<vmem>>) offsets(%dma_start3A_52 : memref<128xi32, #tpu.memory_space<vmem>>) semaphore(%arg7 : memref<!tpu.dma_semaphore, #tpu.memory_space<semaphore_mem>>)
      } else {
      }
      %dma_wait3A = arith.constant 0 : i32
      %dma_wait3A_25 = arith.constant 0 : i32
      %dma_wait3A_26 = tpu.memref_slice %arg6[%rem3A_20, %dma_wait3A, %dma_wait3A_25] : memref<2x128x64xf32, #tpu.memory_space<vmem>> -> memref<1x128x64xf32, #tpu.memory_space<vmem>>
      %dma_wait3A_27 = tpu.memref_squeeze %dma_wait3A_26 : memref<1x128x64xf32, #tpu.memory_space<vmem>> -> memref<128x64xf32, #tpu.memory_space<vmem>>
      %dma_wait3A_28 = arith.constant 0 : i32
      %dma_wait3A_29 = arith.constant 0 : i32
      %dma_wait3A_30 = tpu.memref_slice %arg2[%dma_wait3A_28, %dma_wait3A_29] : memref<1000000x64xf32, #tpu.memory_space<hbm>> -> memref<128x64xf32, #tpu.memory_space<hbm>>
      %dma_wait3A_31 = arith.constant 0 : i32
      %dma_wait3A_32 = arith.constant 0 : i32
      %dma_wait3A_33 = tpu.memref_slice %arg6[%rem3A_20, %dma_wait3A_31, %dma_wait3A_32] : memref<2x128x64xf32, #tpu.memory_space<vmem>> -> memref<1x128x64xf32, #tpu.memory_space<vmem>>
      %dma_wait3A_34 = tpu.memref_squeeze %dma_wait3A_33 : memref<1x128x64xf32, #tpu.memory_space<vmem>> -> memref<128x64xf32, #tpu.memory_space<vmem>>
      %dma_wait3A_35 = arith.constant 0 : i32
      %dma_wait3A_36 = arith.constant 0 : i32
      %dma_wait3A_37 = tpu.memref_slice %arg2[%dma_wait3A_35, %dma_wait3A_36] : memref<1000000x64xf32, #tpu.memory_space<hbm>> -> memref<128x64xf32, #tpu.memory_space<hbm>>
      tpu.wait_dma2 semaphore(%arg7 : memref<!tpu.dma_semaphore, #tpu.memory_space<semaphore_mem>>) src(%dma_wait3A_37 : memref<128x64xf32, #tpu.memory_space<hbm>>) dst(%dma_wait3A_34 : memref<128x64xf32, #tpu.memory_space<vmem>>)
      %parallel_loop3A = arith.constant 0 : i32
      %parallel_loop3A_38 = arith.constant 128 : i32
      %parallel_loop3A_39 = arith.constant 1 : i32
      scf.for %parallel_loop3A_43 = %parallel_loop3A to %parallel_loop3A_38 step %parallel_loop3A_39  : i32 {
        %parallel_loop3A_44 = arith.constant 0 : i32
        %parallel_loop3A_45 = arith.constant 0 : i32
        %parallel_loop3A_46 = tpu.memref_slice %arg6[%rem3A_20, %parallel_loop3A_44, %parallel_loop3A_45] : memref<2x128x64xf32, #tpu.memory_space<vmem>> -> memref<1x128x64xf32, #tpu.memory_space<vmem>>
        %parallel_loop3A_47 = tpu.memref_squeeze %parallel_loop3A_46 : memref<1x128x64xf32, #tpu.memory_space<vmem>> -> memref<128x64xf32, #tpu.memory_space<vmem>>
        %parallel_loop3A_48 = arith.index_cast %parallel_loop3A_43 : i32 to index
        %parallel_loop3A_49 = arith.constant 0 : index
        %parallel_loop3A_50 = tpu.vector_load %parallel_loop3A_47[%parallel_loop3A_48, %parallel_loop3A_49] {strides = array<i32>} : memref<128x64xf32, #tpu.memory_space<vmem>>, vector<16xf32>,
        %parallel_loop3A_51 = arith.constant 0 : i32
        %parallel_loop3A_52 = arith.constant 0 : i32
        %parallel_loop3A_53 = tpu.memref_slice %arg6[%rem3A_20, %parallel_loop3A_51, %parallel_loop3A_52] : memref<2x128x64xf32, #tpu.memory_space<vmem>> -> memref<1x128x64xf32, #tpu.memory_space<vmem>>
        %parallel_loop3A_54 = tpu.memref_squeeze %parallel_loop3A_53 : memref<1x128x64xf32, #tpu.memory_space<vmem>> -> memref<128x64xf32, #tpu.memory_space<vmem>>
        %parallel_loop3A_55 = arith.index_cast %parallel_loop3A_43 : i32 to index
        %parallel_loop3A_56 = arith.constant 16 : index
        %parallel_loop3A_57 = tpu.vector_load %parallel_loop3A_54[%parallel_loop3A_55, %parallel_loop3A_56] {strides = array<i32>} : memref<128x64xf32, #tpu.memory_space<vmem>>, vector<16xf32>,
        %parallel_loop3A_58 = arith.constant 0 : i32
        %parallel_loop3A_59 = arith.constant 0 : i32
        %parallel_loop3A_60 = tpu.memref_slice %arg6[%rem3A_20, %parallel_loop3A_58, %parallel_loop3A_59] : memref<2x128x64xf32, #tpu.memory_space<vmem>> -> memref<1x128x64xf32, #tpu.memory_space<vmem>>
        %parallel_loop3A_61 = tpu.memref_squeeze %parallel_loop3A_60 : memref<1x128x64xf32, #tpu.memory_space<vmem>> -> memref<128x64xf32, #tpu.memory_space<vmem>>
        %parallel_loop3A_62 = arith.index_cast %parallel_loop3A_43 : i32 to index
        %parallel_loop3A_63 = arith.constant 32 : index
        %parallel_loop3A_64 = tpu.vector_load %parallel_loop3A_61[%parallel_loop3A_62, %parallel_loop3A_63] {strides = array<i32>} : memref<128x64xf32, #tpu.memory_space<vmem>>, vector<16xf32>,
        %parallel_loop3A_65 = arith.constant 0 : i32
        %parallel_loop3A_66 = arith.constant 0 : i32
        %parallel_loop3A_67 = tpu.memref_slice %arg6[%rem3A_20, %parallel_loop3A_65, %parallel_loop3A_66] : memref<2x128x64xf32, #tpu.memory_space<vmem>> -> memref<1x128x64xf32, #tpu.memory_space<vmem>>
        %parallel_loop3A_68 = tpu.memref_squeeze %parallel_loop3A_67 : memref<1x128x64xf32, #tpu.memory_space<vmem>> -> memref<128x64xf32, #tpu.memory_space<vmem>>
        %parallel_loop3A_69 = arith.index_cast %parallel_loop3A_43 : i32 to index
        %parallel_loop3A_70 = arith.constant 48 : index
        %parallel_loop3A_71 = tpu.vector_load %parallel_loop3A_68[%parallel_loop3A_69, %parallel_loop3A_70] {strides = array<i32>} : memref<128x64xf32, #tpu.memory_space<vmem>>, vector<16xf32>,
        %parallel_loop3A_72 = arith.mulf %parallel_loop3A_50, %parallel_loop3A_50 : vector<16xf32>
        %parallel_loop3A_73 = arith.mulf %parallel_loop3A_57, %parallel_loop3A_57 : vector<16xf32>
        %parallel_loop3A_74 = arith.addf %parallel_loop3A_72, %parallel_loop3A_73 : vector<16xf32>
        %parallel_loop3A_75 = arith.mulf %parallel_loop3A_64, %parallel_loop3A_64 : vector<16xf32>
        %parallel_loop3A_76 = arith.addf %parallel_loop3A_74, %parallel_loop3A_75 : vector<16xf32>
        %parallel_loop3A_77 = arith.mulf %parallel_loop3A_71, %parallel_loop3A_71 : vector<16xf32>
        %parallel_loop3A_78 = arith.addf %parallel_loop3A_76, %parallel_loop3A_77 : vector<16xf32>
        %parallel_loop3A_79 = arith.constant true
        %parallel_loop3A_80 = vector.broadcast %parallel_loop3A_79 : i1 to vector<16xi1>
        %parallel_loop3A_81 = tpu.scan <sum>, %parallel_loop3A_78 masked %parallel_loop3A_80 : vector<16xf32>, vector<16xi1> -> vector<16xf32>
        %parallel_loop3A_82 = vector.extract %parallel_loop3A_81[15] : f32 from vector<16xf32>
        %parallel_loop3A_83 = arith.constant 9.99999996E-13 : f32
        %parallel_loop3A_84 = arith.maximumf %parallel_loop3A_82, %parallel_loop3A_83 : f32
        %parallel_loop3A_85 = vector.broadcast %parallel_loop3A_84 : f32 to vector<16xf32>
        %parallel_loop3A_86 = tpu.bitcast %parallel_loop3A_85 : vector<16xf32> -> vector<16xi32>
        %parallel_loop3A_87 = arith.constant 1 : i32
        %parallel_loop3A_88 = vector.broadcast %parallel_loop3A_87 : i32 to vector<16xi32>
        %parallel_loop3A_89 = arith.shrui %parallel_loop3A_86, %parallel_loop3A_88 : vector<16xi32>
        %parallel_loop3A_90 = arith.constant 1597463007 : i32
        %parallel_loop3A_91 = vector.broadcast %parallel_loop3A_90 : i32 to vector<16xi32>
        %parallel_loop3A_92 = arith.subi %parallel_loop3A_91, %parallel_loop3A_89 : vector<16xi32>
        %parallel_loop3A_93 = tpu.bitcast %parallel_loop3A_92 : vector<16xi32> -> vector<16xf32>
        %parallel_loop3A_94 = arith.constant 5.000000e-01 : f32
        %parallel_loop3A_95 = vector.broadcast %parallel_loop3A_94 : f32 to vector<16xf32>
        %parallel_loop3A_96 = arith.mulf %parallel_loop3A_85, %parallel_loop3A_95 : vector<16xf32>
        %parallel_loop3A_97 = arith.mulf %parallel_loop3A_96, %parallel_loop3A_93 : vector<16xf32>
        %parallel_loop3A_98 = arith.mulf %parallel_loop3A_97, %parallel_loop3A_93 : vector<16xf32>
        %parallel_loop3A_99 = arith.constant 1.500000e+00 : f32
        %parallel_loop3A_100 = vector.broadcast %parallel_loop3A_99 : f32 to vector<16xf32>
        %parallel_loop3A_101 = arith.subf %parallel_loop3A_100, %parallel_loop3A_98 : vector<16xf32>
        %parallel_loop3A_102 = arith.mulf %parallel_loop3A_93, %parallel_loop3A_101 : vector<16xf32>
        %parallel_loop3A_103 = arith.mulf %parallel_loop3A_96, %parallel_loop3A_102 : vector<16xf32>
        %parallel_loop3A_104 = arith.mulf %parallel_loop3A_103, %parallel_loop3A_102 : vector<16xf32>
        %parallel_loop3A_105 = arith.constant 1.500000e+00 : f32
        %parallel_loop3A_106 = vector.broadcast %parallel_loop3A_105 : f32 to vector<16xf32>
        %parallel_loop3A_107 = arith.subf %parallel_loop3A_106, %parallel_loop3A_104 : vector<16xf32>
        %parallel_loop3A_108 = arith.mulf %parallel_loop3A_102, %parallel_loop3A_107 : vector<16xf32>
        %parallel_loop3A_109 = arith.mulf %parallel_loop3A_96, %parallel_loop3A_108 : vector<16xf32>
        %parallel_loop3A_110 = arith.mulf %parallel_loop3A_109, %parallel_loop3A_108 : vector<16xf32>
        %parallel_loop3A_111 = arith.constant 1.500000e+00 : f32
        %parallel_loop3A_112 = vector.broadcast %parallel_loop3A_111 : f32 to vector<16xf32>
        %parallel_loop3A_113 = arith.subf %parallel_loop3A_112, %parallel_loop3A_110 : vector<16xf32>
        %parallel_loop3A_114 = arith.mulf %parallel_loop3A_108, %parallel_loop3A_113 : vector<16xf32>
        %parallel_loop3A_115 = arith.mulf %parallel_loop3A_50, %parallel_loop3A_114 : vector<16xf32>
        %parallel_loop3A_116 = arith.constant 0 : i32
        %parallel_loop3A_117 = arith.constant 0 : i32
        %parallel_loop3A_118 = tpu.memref_slice %arg6[%rem3A_20, %parallel_loop3A_116, %parallel_loop3A_117] : memref<2x128x64xf32, #tpu.memory_space<vmem>> -> memref<1x128x64xf32, #tpu.memory_space<vmem>>
        %parallel_loop3A_119 = tpu.memref_squeeze %parallel_loop3A_118 : memref<1x128x64xf32, #tpu.memory_space<vmem>> -> memref<128x64xf32, #tpu.memory_space<vmem>>
        %parallel_loop3A_120 = arith.index_cast %parallel_loop3A_43 : i32 to index
        %parallel_loop3A_121 = arith.constant 0 : index
        %parallel_loop3A_122 = tpu.vector_load %parallel_loop3A_119[%parallel_loop3A_120, %parallel_loop3A_121] {strides = array<i32>} : memref<128x64xf32, #tpu.memory_space<vmem>>, vector<16xf32>,
        tpu.vector_store %parallel_loop3A_119[%parallel_loop3A_120, %parallel_loop3A_121], %parallel_loop3A_115 {strides = array<i32>} : memref<128x64xf32, #tpu.memory_space<vmem>>, vector<16xf32>,
        %parallel_loop3A_123 = arith.mulf %parallel_loop3A_57, %parallel_loop3A_114 : vector<16xf32>
        %parallel_loop3A_124 = arith.constant 0 : i32
        %parallel_loop3A_125 = arith.constant 0 : i32
        %parallel_loop3A_126 = tpu.memref_slice %arg6[%rem3A_20, %parallel_loop3A_124, %parallel_loop3A_125] : memref<2x128x64xf32, #tpu.memory_space<vmem>> -> memref<1x128x64xf32, #tpu.memory_space<vmem>>
        %parallel_loop3A_127 = tpu.memref_squeeze %parallel_loop3A_126 : memref<1x128x64xf32, #tpu.memory_space<vmem>> -> memref<128x64xf32, #tpu.memory_space<vmem>>
        %parallel_loop3A_128 = arith.index_cast %parallel_loop3A_43 : i32 to index
        %parallel_loop3A_129 = arith.constant 16 : index
        %parallel_loop3A_130 = tpu.vector_load %parallel_loop3A_127[%parallel_loop3A_128, %parallel_loop3A_129] {strides = array<i32>} : memref<128x64xf32, #tpu.memory_space<vmem>>, vector<16xf32>,
        tpu.vector_store %parallel_loop3A_127[%parallel_loop3A_128, %parallel_loop3A_129], %parallel_loop3A_123 {strides = array<i32>} : memref<128x64xf32, #tpu.memory_space<vmem>>, vector<16xf32>,
        %parallel_loop3A_131 = arith.mulf %parallel_loop3A_64, %parallel_loop3A_114 : vector<16xf32>
        %parallel_loop3A_132 = arith.constant 0 : i32
        %parallel_loop3A_133 = arith.constant 0 : i32
        %parallel_loop3A_134 = tpu.memref_slice %arg6[%rem3A_20, %parallel_loop3A_132, %parallel_loop3A_133] : memref<2x128x64xf32, #tpu.memory_space<vmem>> -> memref<1x128x64xf32, #tpu.memory_space<vmem>>
        %parallel_loop3A_135 = tpu.memref_squeeze %parallel_loop3A_134 : memref<1x128x64xf32, #tpu.memory_space<vmem>> -> memref<128x64xf32, #tpu.memory_space<vmem>>
        %parallel_loop3A_136 = arith.index_cast %parallel_loop3A_43 : i32 to index
        %parallel_loop3A_137 = arith.constant 32 : index
        %parallel_loop3A_138 = tpu.vector_load %parallel_loop3A_135[%parallel_loop3A_136, %parallel_loop3A_137] {strides = array<i32>} : memref<128x64xf32, #tpu.memory_space<vmem>>, vector<16xf32>,
        tpu.vector_store %parallel_loop3A_135[%parallel_loop3A_136, %parallel_loop3A_137], %parallel_loop3A_131 {strides = array<i32>} : memref<128x64xf32, #tpu.memory_space<vmem>>, vector<16xf32>,
        %parallel_loop3A_139 = arith.mulf %parallel_loop3A_71, %parallel_loop3A_114 : vector<16xf32>
        %parallel_loop3A_140 = arith.constant 0 : i32
        %parallel_loop3A_141 = arith.constant 0 : i32
        %parallel_loop3A_142 = tpu.memref_slice %arg6[%rem3A_20, %parallel_loop3A_140, %parallel_loop3A_141] : memref<2x128x64xf32, #tpu.memory_space<vmem>> -> memref<1x128x64xf32, #tpu.memory_space<vmem>>
        %parallel_loop3A_143 = tpu.memref_squeeze %parallel_loop3A_142 : memref<1x128x64xf32, #tpu.memory_space<vmem>> -> memref<128x64xf32, #tpu.memory_space<vmem>>
        %parallel_loop3A_144 = arith.index_cast %parallel_loop3A_43 : i32 to index
        %parallel_loop3A_145 = arith.constant 48 : index
        %parallel_loop3A_146 = tpu.vector_load %parallel_loop3A_143[%parallel_loop3A_144, %parallel_loop3A_145] {strides = array<i32>} : memref<128x64xf32, #tpu.memory_space<vmem>>, vector<16xf32>,
        tpu.vector_store %parallel_loop3A_143[%parallel_loop3A_144, %parallel_loop3A_145], %parallel_loop3A_139 {strides = array<i32>} : memref<128x64xf32, #tpu.memory_space<vmem>>, vector<16xf32>,
      } {sc.loop_unroll_factor = 8 : i64, sc.parallel_access}
      %mul3A_40 = arith.constant 128 : i32
      %mul3A_41 = arith.muli %scan3A_19, %mul3A_40 : i32
      %add3A_42 = arith.addi %mul3A_2, %mul3A_41 : i32
      "tpu.region"() ({
        %run_scoped3A = tpu.sem_alloc : memref<!tpu.dma_semaphore, #tpu.memory_space<semaphore_mem>>
        %dma_start3A_43 = arith.constant 0 : i32
        %dma_start3A_44 = arith.constant 0 : i32
        %dma_start3A_45 = tpu.memref_slice %arg6[%rem3A_20, %dma_start3A_43, %dma_start3A_44] : memref<2x128x64xf32, #tpu.memory_space<vmem>> -> memref<1x128x64xf32, #tpu.memory_space<vmem>>
        %dma_start3A_46 = tpu.memref_squeeze %dma_start3A_45 : memref<1x128x64xf32, #tpu.memory_space<vmem>> -> memref<128x64xf32, #tpu.memory_space<vmem>>
        %dma_start3A_47 = arith.constant 0 : i32
        %dma_start3A_48 = tpu.memref_slice %arg4[%add3A_42, %dma_start3A_47] : memref<204800x64xf32, #tpu.memory_space<hbm>> -> memref<128x64xf32, #tpu.memory_space<hbm>>
        %dma_start3A_49 = arith.constant 0 : i32
        %dma_start3A_50 = tpu.memref_slice %arg4[%add3A_42, %dma_start3A_49] : memref<204800x64xf32, #tpu.memory_space<hbm>> -> memref<128x64xf32, #tpu.memory_space<hbm>>
        %dma_start3A_51 = arith.constant 0 : i32
        %dma_start3A_52 = arith.constant 0 : i32
        %dma_start3A_53 = tpu.memref_slice %arg6[%rem3A_20, %dma_start3A_51, %dma_start3A_52] : memref<2x128x64xf32, #tpu.memory_space<vmem>> -> memref<1x128x64xf32, #tpu.memory_space<vmem>>
        %dma_start3A_54 = tpu.memref_squeeze %dma_start3A_53 : memref<1x128x64xf32, #tpu.memory_space<vmem>> -> memref<128x64xf32, #tpu.memory_space<vmem>>
        tpu.enqueue_dma source(%dma_start3A_54 : memref<128x64xf32, #tpu.memory_space<vmem>>) target(%dma_start3A_50 : memref<128x64xf32, #tpu.memory_space<hbm>>) target_semaphore(%run_scoped3A : memref<!tpu.dma_semaphore, #tpu.memory_space<semaphore_mem>>)
        %dma_wait3A_55 = arith.constant 0 : i32
        %dma_wait3A_56 = arith.constant 0 : i32
        %dma_wait3A_57 = tpu.memref_slice %arg6[%rem3A_20, %dma_wait3A_55, %dma_wait3A_56] : memref<2x128x64xf32, #tpu.memory_space<vmem>> -> memref<1x128x64xf32, #tpu.memory_space<vmem>>
        %dma_wait3A_58 = tpu.memref_squeeze %dma_wait3A_57 : memref<1x128x64xf32, #tpu.memory_space<vmem>> -> memref<128x64xf32, #tpu.memory_space<vmem>>
        %dma_wait3A_59 = arith.constant 0 : i32
        %dma_wait3A_60 = tpu.memref_slice %arg4[%add3A_42, %dma_wait3A_59] : memref<204800x64xf32, #tpu.memory_space<hbm>> -> memref<128x64xf32, #tpu.memory_space<hbm>>
        %dma_wait3A_61 = arith.constant 0 : i32
        %dma_wait3A_62 = tpu.memref_slice %arg4[%add3A_42, %dma_wait3A_61] : memref<204800x64xf32, #tpu.memory_space<hbm>> -> memref<128x64xf32, #tpu.memory_space<hbm>>
        %dma_wait3A_63 = arith.constant 0 : i32
        %dma_wait3A_64 = arith.constant 0 : i32
        %dma_wait3A_65 = tpu.memref_slice %arg6[%rem3A_20, %dma_wait3A_63, %dma_wait3A_64] : memref<2x128x64xf32, #tpu.memory_space<vmem>> -> memref<1x128x64xf32, #tpu.memory_space<vmem>>
        %dma_wait3A_66 = tpu.memref_squeeze %dma_wait3A_65 : memref<1x128x64xf32, #tpu.memory_space<vmem>> -> memref<128x64xf32, #tpu.memory_space<vmem>>
        tpu.wait_dma2 semaphore(%run_scoped3A : memref<!tpu.dma_semaphore, #tpu.memory_space<semaphore_mem>>) src(%dma_wait3A_66 : memref<128x64xf32, #tpu.memory_space<vmem>>) dst(%dma_wait3A_62 : memref<128x64xf32, #tpu.memory_space<hbm>>)
        tpu.yield
      }) : () -> ()
    }
    %scan3A_18 = arith.constant 50 : i32
    return
  }
}

</mosaic_0001>

<sc_bundles>
// kernel: kernel.3.cloned.1.call-start
scs
__scs_entry_jumppad:
0x0: {  	(pc) =	sbr.rel $0x88, $3  }
0x1: {  	(tag) =	ssettag $0x0;
	lr =	simm.s32 $0x1  }
0x2: {  	[smem:$0x3F9F] =	sst lr;
	_ =	strace $0xD0000000  }
0x3: {  	_ = 	snop  }
0x4: {  	_ = 	snop  }
0x5: {  	_ = 	snop  }
0x6: {  	_ = 	snop  }
0x7: {  	_ = 	snop  }
__scs_overlays_trampoline_lowered:
0x8: {  	[smem:$0x3FAE] =	sst s0  }
0x9: {  	[smem:$0x3FAF] =	sst s1  }
0xa: {  	[smem:$0x3FB0] =	sst s2  }
0xb: {  	[smem:$0x3FB1] =	sst s3  }
0xc: {  	[smem:$0x3FB2] =	sst s4  }
0xd: {  	[smem:$0x3FB3] =	sst s5  }
0xe: {  	[smem:$0x3FB4] =	sst s6  }
0xf: {  	[smem:$0x3FB5] =	sst s7  }
0x10: {  	[smem:$0x3FB6] =	sst s8  }
0x11: {  	[smem:$0x3FB7] =	sst s9;
	s0 =	simm.s32 @!p0 $0x0  }
0x12: {  	s1 =	sld [smem:$0x3F9D];
	s0 =	simm.s32 @p0 $0x1  }
0x13: {  	[smem:$0x3FB8] =	sst s0;
	s0 =	simm.s32 @!p1 $0x0  }
0x14: {  	s2 =	sld [smem:$0x3F9C];
	s0 =	simm.s32 @p1 $0x1  }
0x15: {  	[smem:$0x3FB9] =	sst s0;
	s0 =	simm.s32 @!p2 $0x0  }
0x16: {  	s3 =	sld [smem:$0x3FDB];
	s0 =	simm.s32 @p2 $0x1  }
0x17: {  	s4 =	simm.s32 $0x1BF5;
	[smem:$0x3FBB] =	sst s0  }
0x18: {  	s0 =	sld [smem:$0x3F9E];
	_ =	swait.ge [sflag:s4], $0x0  }
0x19: {  	s7 =	sld [smem:$0x3F9F]  }
0x1a: {  	s8 =	sadd.s32 $0xFFFFE003, lr  }
0x1b: {  	s9 =	sadd.s32 $0xFFFFFEF7, lr;
	s5 =	simm.s32 $0xFFFFFFFF;
	p2 =	slt.u32 s8, $0xFFFFF086  }
0x1c: {  	p1 =	slt.u32 s9, $0xF7A;
	s5 =	simm.s32 @!p2 $0x0  }
0x1d: {  	s5 =	simm.s32 @p1 $0x1;
	p0 =	seq.s32 s7, s2  }
0x1e: {  	s7 =	smul.u32 @!p0 $0xF7A, s2;
	p2 =	seq.s32 @!p0 s5, $0x0  }
0x1f: {  	s9 =	smul.u32 $0xF7A, s1;
	s8 =	simm.s32 @!p0 $0x1BF5;
	p2 =	por !p2, p0  }
0x20: {  	[sflag:s8] =	ssyncset.s32 @!p0 $0xFFFFF086;
	s6 =	sadd.s32 @!p0 s3, s7;
	s7 =	simm.s32 @!p0 $0x108  }
0x21: {  	s3 =	sadd.s32 s3, s9;
	s6 =	sadd.s32 @!p0 $0x88, s6;
	s7 =	simm.s32 @p2 $0x1082  }
0x22: {  	[simem:s7], [sflag:s8] =	dma.local @!p0 [hbm:s6], $0xF7A  }
0x23: {  	s9 =	sor.u32 $0xD0000000, s2;
	s6 =	simm.s32 $0x108;
	_ =	swait.ge @!p0 [sflag:s8], $0x0  }
0x24: {  	s3 =	sadd.s32 $0x88, s3;
	s6 =	simm.s32 @!p1 $0x1082;
	[sflag:s4] =	ssyncset.s32 $0xFFFFF086  }
0x25: {  	[simem:s6], [sflag:s4] =	dma.local [hbm:s3], $0xF7A  }
0x26: {  	[smem:$0x3F9F] =	sst s1;
	(tag) =	ssettag s2;
	_ =	strace s9  }
0x27: {  	s1 =	sld [smem:$0x3FAF]  }
0x28: {  	s2 =	sld [smem:$0x3FB0]  }
0x29: {  	s4 =	sld [smem:$0x3FB2]  }
0x2a: {  	p0 =	seq.s32 s5, $0x0;
	s5 =	sld [smem:$0x3FB3]  }
0x2b: {  	s6 =	sld [smem:$0x3FB4]  }
0x2c: {  	s7 =	sld [smem:$0x3FB5]  }
0x2d: {  	s3 =	simm.s32 $0x108;
	s8 =	sld [smem:$0x3FB6]  }
0x2e: {  	s3 =	simm.s32 @!p0 $0x1082;
	s9 =	sld [smem:$0x3FB7]  }
0x2f: {  	lr =	sadd.s32 s0, s3;
	s0 =	sld [smem:$0x3FAE]  }
0x30: {  	s3 =	sld [smem:$0x3FB1]  }
0x31: {  	[smem:$0x3FBA] =	sst s10  }
0x32: {  	s10 =	sld [smem:$0x3FB8];
	_ =	sdelay $0x3  }
0x33: {  	p0 =	seq.s32 s10, $0x1;
	s10 =	sld [smem:$0x3FBA];
	_ =	sdelay $0x3  }
0x34: {  	[smem:$0x3FBA] =	sst s10  }
0x35: {  	s10 =	sld [smem:$0x3FB9];
	_ =	sdelay $0x3  }
0x36: {  	p1 =	seq.s32 s10, $0x1;
	s10 =	sld [smem:$0x3FBA];
	_ =	sdelay $0x3  }
0x37: {  	[smem:$0x3FBA] =	sst s10  }
0x38: {  	s10 =	sld [smem:$0x3FBB]  }
0x39: {  	_ = 	snop;
	(pc) =	sbr.ind lr, $3  }
0x3a: {  	_ = 	snop  }
0x3b: {  	_ = 	snop  }
0x3c: {  	p2 =	seq.s32 s10, $0x1;
	s10 =	sld [smem:$0x3FBA]  }
0x3d: {  	_ =	shalt  }
0x3e: {  	_ =	shalt  }
0x3f: {  	_ =	shalt  }
0x40: {  	_ =	shalt  }
0x41: {  	_ =	shalt  }
0x42: {  	_ =	shalt  }
0x43: {  	_ =	shalt  }
0x44: {  	_ =	shalt  }
0x45: {  	_ =	shalt  }
0x46: {  	_ =	shalt  }
0x47: {  	_ =	shalt  }
0x48: {  	_ =	shalt  }
0x49: {  	_ =	shalt  }
0x4a: {  	_ =	shalt  }
0x4b: {  	_ =	shalt  }
0x4c: {  	_ =	shalt  }
0x4d: {  	_ =	shalt  }
0x4e: {  	_ =	shalt  }
0x4f: {  	_ =	shalt  }
0x50: {  	_ =	shalt  }
0x51: {  	_ =	shalt  }
0x52: {  	_ =	shalt  }
0x53: {  	_ =	shalt  }
0x54: {  	_ =	shalt  }
0x55: {  	_ =	shalt  }
0x56: {  	_ =	shalt  }
0x57: {  	_ =	shalt  }
0x58: {  	_ =	shalt  }
0x59: {  	_ =	shalt  }
0x5a: {  	_ =	shalt  }
0x5b: {  	_ =	shalt  }
0x5c: {  	_ =	shalt  }
0x5d: {  	_ =	shalt  }
0x5e: {  	_ =	shalt  }
0x5f: {  	_ =	shalt  }
0x60: {  	_ =	shalt  }
0x61: {  	_ =	shalt  }
0x62: {  	_ =	shalt  }
0x63: {  	_ =	shalt  }
0x64: {  	_ =	shalt  }
0x65: {  	_ =	shalt  }
0x66: {  	_ =	shalt  }
0x67: {  	_ =	shalt  }
0x68: {  	_ =	shalt  }
0x69: {  	_ =	shalt  }
0x6a: {  	_ =	shalt  }
0x6b: {  	_ =	shalt  }
0x6c: {  	_ =	shalt  }
0x6d: {  	_ =	shalt  }
0x6e: {  	_ =	shalt  }
0x6f: {  	_ =	shalt  }
0x70: {  	_ =	shalt  }
0x71: {  	_ =	shalt  }
0x72: {  	_ =	shalt  }
0x73: {  	_ =	shalt  }
0x74: {  	_ =	shalt  }
0x75: {  	_ =	shalt  }
0x76: {  	_ =	shalt  }
0x77: {  	_ =	shalt  }
0x78: {  	_ =	shalt  }
0x79: {  	_ =	shalt  }
0x7a: {  	_ =	shalt  }
0x7b: {  	_ =	shalt  }
0x7c: {  	_ =	shalt  }
0x7d: {  	_ =	shalt  }
0x7e: {  	_ =	shalt  }
0x7f: {  	_ =	shalt  }
0x80: {  	_ =	shalt  }
0x81: {  	_ =	shalt  }
0x82: {  	_ =	shalt  }
0x83: {  	_ =	shalt  }
0x84: {  	_ =	shalt  }
0x85: {  	_ =	shalt  }
0x86: {  	_ =	shalt  }
0x87: {  	_ =	shalt  }
.Lfunc_end0:
.L_simem_size_0:
called_computation.1_lowered:
.L_overlay_start_0:
0x88: {  	s2 =	sld [smem:$0x3FD9]  }
0x89: {  	s3 =	sld [smem:$0x3FFE];
	_ =	sdelay $0x1  }
0x8a: {  	s1 =	srdreg.scid  }
0x8b: {  	s0 =	sand.u32 $0x1, s1  }
0x8c: {  	s17 =	sshll.u32 s0, $0xA;
	s2 =	sadd.s32 s3, s2  }
0x8d: {  	s2 =	sadd.s32 s2, s17  }
0x8e: {  	[smem:$0x3FC6] =	sst s2  }
0x8f: {  	_ = 	snop  }
0x90: {  	s2 =	sld [smem:$0x3FD0];
	(tm) =	ssettm $0x1  }
0x91: {  	s18 =	sld [smem:$0x3FFB];
	_ =	sdelay $0x3  }
0x92: {  	_ =	strace s18  }
0x93: {  	s3 =	sld [smem:$0x3FFC];
	_ =	sdelay $0x3  }
0x94: {  	_ =	strace s3  }
0x95: {  	s3 =	sld [smem:$0x3FFD];
	_ =	sdelay $0x3  }
0x96: {  	_ =	strace s3  }
0x97: {  	_ =	strace $0x8FFFFFFF  }
0x98: {  	s19 =	sld [smem:$0x3FDB];
	_ =	sdelay $0x1  }
0x99: {  	s4 =	simm.s32 $_scs_section_size  }
0x9a: {  	s5 =	simm.s32 $_size__tile_overlayer_lowered;
	s6 =	simm.s32 $_tile_overlayer_lowered  }
0x9b: {  	s22 =	simm.s32 $0x1BFF;
	s21 =	sshll.u32 s6, $0x1;
	s3 =	sadd.s32 s4, s19  }
0x9c: {  	s7 =	simm.s32 $0x0;
	s20 =	sshll.u32 s5, $0x1;
	s5 =	sadd.s32 s21, s3  }
0x9d: {  	[timem:s7], [sflag:s22] =	dma.local [hbm:s5], s20  }
0x9e: {  	_ =	swait.ge [sflag:s22], s20  }
0x9f: {  	s4 =	ssub.s32 $0x0, s20;
	[sflag:s22] =	ssyncset.done $0x0  }
0xa0: {  	[sflag:s22] =	ssyncadd.s32 s4;
	_ =	sdelay $0x1  }
0xa1: {  	s23 =	simm.s32 $0x1B8B  }
0xa2: {  	_ =	swait.ge [sflag:s23], $0x1  }
0xa3: {  	[sflag:s23] =	ssyncset.done $0x0  }
0xa4: {  	s25 =	simm.s32 $0x1B8E;
	s24 =	sld [smem:$0x3FFE];
	[sflag:s23] =	ssyncadd.s32 $0xFFFFFFFF  }
0xa5: {  	s26 =	simm.s32 $execute0_lowered;
	[smem:$0x3FD2] =	sst s25  }
0xa6: {  	s5 =	sshll.u32 s26, $0x1;
	_ =	strace $0x80000046;
	[dreg:$0x1] =	wrdreg $0xFFFFFFFF  }
0xa7: {  	s28 =	simm.s32 $_size_execute0_lowered;
	s3 =	sadd.s32 s3, s5;
	[dreg:$0x0] =	wrdreg $0x0  }
0xa8: {  	s5 =	sshll.u32 s28, $0x1;
	[dreg:$0x2] =	wrdreg s3  }
0xa9: {  	[dreg:$0x3] =	wrdreg s5  }
0xaa: {  	[dreg:$0x4] =	wrdreg $0xC0  }
0xab: {  	_ =	task [dreg:s7], $0x5FFFF  }
0xac: {  	[dreg:$0x1] =	wrdreg $0xFFFFFFFF  }
0xad: {  	[dreg:$0x0] =	wrdreg $0x60  }
0xae: {  	[dreg:$0x2] =	wrdreg s24  }
0xaf: {  	[dreg:$0x3] =	wrdreg s2  }
0xb0: {  	[dreg:$0x4] =	wrdreg $0x9  }
0xb1: {  	_ =	task.clear_ibuf [dreg:s7], $0x5FFFF;
	_ =	strace $0x90000046  }
0xb2: {  	s29 =	simm.s32 $0x9;
	_ =	strace $0x80000048  }
0xb3: {  	_ =	swait.ge [sflag:s29], $0x1  }
0xb4: {  	[sflag:s29] =	ssyncadd.s32 $0xFFFFFFFF  }
0xb5: {  	_ =	strace $0x90000048  }
0xb6: {  	_ =	sfence  }
0xb7: {  	s30 =	sld [smem:$0x0];
	_ =	sdelay $0x2  }
0xb8: {  	s31 =	sshll.u32 s1, $0xD;
	s1 =	sshrl.u32 s1, $0x2  }
0xb9: {  	s3 =	sand.u32 $0x4000, s31;
	s1 =	sadd.s32 s1, s30  }
0xba: {  	s0 =	sor.u32 s3, s0;
	s1 =	sshll.u32 s1, $0x11  }
0xbb: {  	s0 =	sor.u32 s1, s0  }
0xbc: {  	s0 =	sadd.s32 $0x8F2B, s0  }
0xbd: {  	[sflag:s0] =	ssyncadd.remote.s32 $0x1  }
0xbe: {  	_ =	sfence.sel $0xFFFF  }
0xbf: {  	[dreg:$0x0] =	wrdreg $0xFFFFFFFF;
	(pc) =	sbr.abs _section_cstart, $3  }
0xc0: {  	[dreg:$0x1] =	wrdreg $0xFFFFFFFF  }
0xc1: {  	_ =	task.clear_ibuf [dreg:s7], $0x2FFFF;
	_ =	strace $0x9FFFFFFF  }
0xc2: {  	(tm) =	ssettm $0x7FFFFFFF  }
0xc3: {  	_ =	shalt  }
tec
execute0_lowered:
.L_overlay_start_1:
0x0: {  	(tag) =	ssettag $0x1  }
0x1: {  	s5 =	rddreg [dreg:$0x0];
	s1 =	srdreg.scid  }
0x2: {  	s0 =	stileid.u32;
	s2 =	rddreg [dreg:$0x1]  }
0x3: {  	s3 =	simm.s32 $0x0;
	s9 =	simm.s32 $0x80;
	s10 =	simm.s32 $0x1900  }
0x4: {  	s11 =	simm.s32 $0x1;
	s4 =	sand.u32 $0x1, s1;
	s6 =	sshll.u32 s0, $0x1  }
0x5: {  	s12 =	simm.s32 $0x0;
	s1 =	rddreg [dreg:$0x2];
	s6 =	sor.u32 s4, s6  }
0x6: {  	[smem:$0x7FF] =	sst s3;
	s8 =	ssub.s32 $0x2, s4;
	s7 =	smul.u32 $0x320, s6  }
0x7: {  	_ =	strace $0x80000047;
	s4 =	sadd.s32 $0xF42E00, s5;
	s31 =	sshrl.u32 s8, $0x1  }
0x8: {  	s6 =	smul.u32 $0x64000, s6;
	s5 =	sadd.s32 s7, s5;
	s7 =	ssub.s32 s8, s31  }
0x9: {  	s8 =	simm.s32 $0x2;
	s5 =	sadd.s32 $0xA00, s5;
	s7 =	smax.u32 s7, $0x1  }
.LBB2_1:
0xa: {  	[tilespmem:s3], [sflag:$0x2] =	stream.linear.gather [hbm4b:s5+s3], $0x1900, $0x38;
	[tilespmem:$0x5900] =	vst v63  }
0xb: {  	_ =	swait.ge [sflag:s8], $0x1900  }
0xc: {  	[sflag:s8] =	ssyncset.done $0x0  }
0xd: {  	p0 =	por $0x0, $0x0;
	s14 =	simm.s32 $0x0;
	[sflag:s8] =	ssyncadd.s32 $0xFFFFE700  }
0xe: {  	[tilespmem:s10], [sflag:$0x1] =	stream.indirect.gather [hbm4b:s4+s9], $0x40, s3, s9, $0xb8;
	[tilespmem:$0x5900] =	vst v63  }
.LBB2_2:
0xf: {  	s16 =	sand.u32 $0x1, s14;
	s13 =	sadd.s32 $0x1, s14;
	p1 =	seq.s32 s14, $0x31  }
0x10: {  	s15 =	simm.s32 $0x1;
	s17 =	sshll.u32 @!p1 s16, $0xD;
	s18 =	sshll.u32 @!p1 s13, $0x7  }
0x11: {  	s19 =	simm.s32 @!p1 $0x80;
	s17 =	sxor.u32 @!p1 $0x3900, s17;
	s18 =	sand.u32 @!p1 $0x3FFFFF80, s18  }
0x12: {  	[tilespmem:s17], [sflag:$0x1] =	stream.indirect.gather @!p1 [hbm4b:s4+s19], $0x40, s18, s19, $0xb8;
	[tilespmem:$0x5900] =	vst v63  }
0x13: {  	s15 =	simm.s32 @!p0 $0x0;
	_ =	swait.ge [sflag:s11], $0x2000  }
0x14: {  	s15 =	sshll.u32 s15, $0xD;
	[sflag:s11] =	ssyncset.done $0x0  }
0x15: {  	s15 =	sor.u32 $0x1A00, s15;
	[sflag:s11] =	ssyncadd.s32 $0xFFFFE000  }
0x16: {  	v30 =	vld [tilespmem:s15+$0xC0]  }
0x17: {  	v2 =	vld [tilespmem:s15+$0xD0];
	_ =	sdelay $0x1  }
0x18: {  	v3 =	vld [tilespmem:s15+$0xE0];
	_ =	sdelay $0x1  }
0x19: {  	v0 =	vld [tilespmem:s15+$0xF0]  }
0x1a: {  	v1 =	vmul.f32 v30, v30;
	[tilespmem:$0x1FFB0] =	vst v2;
	v2 =	vmul.f32 v2, v2;
	_ =	sdelay $0x1  }
0x1b: {  	v1 =	vadd.f32 v2, v1;
	v2 =	vmul.f32 v3, v3;
	_ =	sdelay $0x1  }
0x1c: {  	v1 =	vadd.f32 v2, v1;
	v2 =	vmul.f32 v0, v0;
	_ =	sdelay $0x1  }
0x1d: {  	v1 =	vadd.f32 v2, v1  }
0x1e: {  	[tilespmem:$0x1FFC0] =	vst v3  }
0x1f: {  	v59 =	vld [tilespmem:s15+$0xFFFFFF40];
	(xrf2) =	vadd.scan.msk.f32 $0xffff, v1  }
0x20: {  	v61 =	vld [tilespmem:s15+$0xFFFFFF50]  }
0x21: {  	v50 =	vld [tilespmem:s15+$0xFFFFFF80]  }
0x22: {  	v49 =	vld [tilespmem:s15+$0xFFFFFF90]  }
0x23: {  	v47 =	vld [tilespmem:s15+$0xFFFFFFC0]  }
0x24: {  	v46 =	vld [tilespmem:s15+$0xFFFFFFD0]  }
0x25: {  	v2 =	vld [tilespmem:s15+$0xFFFFFF10]  }
0x26: {  	v4 =	vld [tilespmem:s15+$0xFFFFFF00]  }
0x27: {  	v48 =	vld [tilespmem:s15+$0xFFFFFF60]  }
0x28: {  	v3 =	vld [tilespmem:s15+$0xFFFFFF20]  }
0x29: {  	v51 =	vld [tilespmem:s15+$0xFFFFFF30];
	v1, _, _ =	vpop (xrf2)  }
0x2a: {  	v19 =	vld [tilespmem:s15+$0x0];
	[tilespmem:$0x1FFD0] =	vst v2;
	(v2sf) =	vpush v1, $0xF  }
0x2b: {  	v5 =	vmul.f32 v59, v59;
	v21 =	vld [tilespmem:s15+$0x10];
	[tilespmem:$0x1FFE0] =	vst v4  }
0x2c: {  	v42 =	vld [tilespmem:s15+$0xFFFFFF70];
	v1 =	vmul.f32 v2, v2;
	v2 =	vmul.f32 v4, v4  }
0x2d: {  	v8 =	vmul.f32 v61, v61;
	v52 =	vmul.f32 v48, v48;
	v45 =	vld [tilespmem:s15+$0xFFFFFFA0];
	[tilespmem:$0x1FFF0] =	vst v3  }
0x2e: {  	v53 =	vmul.f32 v51, v51;
	v9 =	vmul.f32 v3, v3;
	v29 =	vld [tilespmem:s15+$0xFFFFFFB0];
	v1 =	vadd.f32 v1, v2  }
0x2f: {  	v10 =	vmul.f32 v50, v50;
	v12 =	vmul.f32 v49, v49;
	v43 =	vld [tilespmem:s15+$0xFFFFFFE0]  }
0x30: {  	v13 =	vmul.f32 v47, v47;
	v27 =	vld [tilespmem:s15+$0xFFFFFFF0];
	v2 =	vadd.f32 v8, v5;
	v1 =	vadd.f32 v9, v1  }
0x31: {  	v20 =	vmul.f32 v46, v46;
	v10 =	vadd.f32 v12, v10;
	v22 =	vld [tilespmem:s15+$0x40];
	v54 =	vmul.f32 v42, v42  }
0x32: {  	v23 =	vld [tilespmem:s15+$0x50];
	v55 =	vmul.f32 v45, v45;
	v2 =	vadd.f32 v52, v2;
	v1 =	vadd.f32 v53, v1  }
0x33: {  	v20 =	vadd.f32 v20, v13;
	v44 =	vld [tilespmem:s15+$0x20];
	v56 =	vmul.f32 v29, v29  }
0x34: {  	v28 =	vld [tilespmem:s15+$0x60];
	v24 =	vmul.f32 v43, v43;
	v2 =	vadd.f32 v54, v2;
	(xrf2) =	vadd.scan.msk.f32 $0xffff, v1;
	v1 =	vadd.f32 v55, v10  }
0x35: {  	v57 =	vmul.f32 v19, v19;
	v26 =	vld [tilespmem:s15+$0x30];
	v33 =	vmul.f32 v27, v27  }
0x36: {  	v20 =	vadd.f32 v24, v20;
	v24 =	vld [tilespmem:s15+$0x70];
	(xrf2) =	vadd.scan.msk.f32 $0xffff, v2;
	v2 =	vmul.f32 v21, v21;
	v1 =	vadd.f32 v56, v1  }
0x37: {  	v18 =	vld [tilespmem:s15+$0x80];
	v31 =	vmul.f32 v22, v22;
	v32 =	vmul.f32 v23, v23  }
0x38: {  	v25 =	vld [tilespmem:s15+$0x90];
	v34 =	vmul.f32 v44, v44;
	v58 =	vadd.f32 v33, v20;
	v2 =	vadd.f32 v2, v57;
	(xrf2) =	vadd.scan.msk.f32 $0xffff, v1  }
0x39: {  	v35 =	vmul.f32 v28, v28;
	v31 =	vadd.f32 v32, v31;
	s23 =	spop (v2sf)  }
0x3a: {  	v17 =	vld [tilespmem:s15+$0xA0];
	v60 =	vmul.f32 v26, v26;
	v2 =	vadd.f32 v34, v2;
	(xrf2) =	vadd.scan.msk.f32 $0xffff, v58;
	s17 =	smax.f32 s23, $9.999999960e-13  }
0x3b: {  	v31 =	vadd.f32 v35, v31;
	v5 =	vmul.f32 v24, v24;
	v62 =	vmov s17  }
0x3c: {  	v20 =	vld [tilespmem:s15+$0xB0];
	v2 =	vadd.f32 v60, v2;
	v36 =	vshrl.u32 v62, $0x1;
	v34 =	vmul.f32 $5.000000000e-01, v62  }
0x3d: {  	v63 =	vmul.f32 v25, v25;
	v1 =	vmul.f32 v18, v18;
	v4 =	vsub.s32 $0x5F3759DF, v36  }
0x3e: {  	v6, _, _ =	vpop (xrf2);
	(xrf2) =	vadd.scan.msk.f32 $0xffff, v2;
	v2 =	vadd.f32 v5, v31;
	v37 =	vmul.f32 v4, v34  }
0x3f: {  	v7 =	vmul.f32 v17, v17;
	v1 =	vadd.f32 v63, v1;
	(v2sf) =	vpush v6, $0xF  }
0x40: {  	v8, _, _ =	vpop (xrf2);
	v31 =	vmul.f32 v4, v37  }
0x41: {  	v9 =	vmul.f32 v20, v20;
	v1 =	vadd.f32 v7, v1;
	(v2sf) =	vpush v8, $0xF  }
0x42: {  	(xrf2) =	vadd.scan.msk.f32 $0xffff, v2;
	v2, _, _ =	vpop (xrf2);
	v31 =	vsub.f32 $1.500000000e+00, v31  }
0x43: {  	v1 =	vadd.f32 v9, v1;
	(v2sf) =	vpush v2, $0xF  }
0x44: {  	v2, _, _ =	vpop (xrf2);
	v31 =	vmul.f32 v4, v31  }
0x45: {  	(xrf2) =	vadd.scan.msk.f32 $0xffff, v1;
	(v2sf) =	vpush v2, $0xF  }
0x46: {  	v1 =	vmul.f32 v31, v34;
	_ =	sdelay $0x1  }
0x47: {  	v1 =	vmul.f32 v1, v31  }
0x48: {  	v2, _, _ =	vpop (xrf2)  }
0x49: {  	(v2sf) =	vpush v2, $0xF;
	v1 =	vsub.f32 $1.500000000e+00, v1;
	_ =	sdelay $0x1  }
0x4a: {  	v2, _, _ =	vpop (xrf2);
	v1 =	vmul.f32 v1, v31  }
0x4b: {  	(v2sf) =	vpush v2, $0xF  }
0x4c: {  	s24 =	spop (v2sf);
	v2 =	vmul.f32 v1, v34  }
0x4d: {  	v31, _, _ =	vpop (xrf2);
	s17 =	smax.f32 s24, $9.999999960e-13  }
0x4e: {  	s25 =	spop (v2sf);
	(v2sf) =	vpush v31, $0xF;
	v10 =	vmov s17;
	v2 =	vmul.f32 v2, v1  }
0x4f: {  	s17 =	smax.f32 s25, $9.999999960e-13;
	v31 =	vshrl.u32 v10, $0x1;
	v33 =	vmul.f32 $5.000000000e-01, v10  }
0x50: {  	v11 =	vsub.s32 $0x5F3759DF, v31;
	v31 =	vmov s17;
	s26 =	spop (v2sf);
	v2 =	vsub.f32 $1.500000000e+00, v2  }
0x51: {  	v12 =	vmul.f32 v11, v33;
	v13 =	vshrl.u32 v31, $0x1;
	v34 =	vmul.f32 $5.000000000e-01, v31;
	s17 =	smax.f32 s26, $9.999999960e-13  }
0x52: {  	s28 =	spop (v2sf);
	v14 =	vsub.s32 $0x5F3759DF, v13;
	v54 =	vmov s17;
	v31 =	vmul.f32 v2, v1  }
0x53: {  	s17 =	smax.f32 s28, $9.999999960e-13;
	v55 =	vshrl.u32 v54, $0x1;
	v1 =	vmul.f32 v11, v12;
	v2 =	vmul.f32 v14, v34  }
0x54: {  	v35 =	vmul.f32 $5.000000000e-01, v54;
	v56 =	vmov s17;
	v38 =	vmul.f32 v31, v0  }
0x55: {  	v0 =	vsub.f32 $1.500000000e+00, v1;
	v1 =	vmul.f32 v14, v2;
	v2 =	vsub.s32 $0x5F3759DF, v55  }
0x56: {  	v40 =	vshrl.u32 v56, $0x1;
	v39 =	vmul.f32 v2, v35  }
0x57: {  	v36 =	vmul.f32 $5.000000000e-01, v56;
	v30 =	vmul.f32 v31, v30;
	s29 =	spop (v2sf);
	v1 =	vsub.f32 $1.500000000e+00, v1  }
0x58: {  	s17 =	smax.f32 s29, $9.999999960e-13;
	v53 =	vmul.f32 v11, v0;
	v0 =	vsub.s32 $0x5F3759DF, v40;
	v57 =	vmul.f32 v2, v39  }
0x59: {  	v58 =	vmul.f32 v0, v36;
	v52 =	vmul.f32 v14, v1;
	v1 =	vmov s17  }
0x5a: {  	s30 =	spop (v2sf);
	v60 =	vsub.f32 $1.500000000e+00, v57;
	v62 =	vshrl.u32 v1, $0x1;
	v37 =	vmul.f32 $5.000000000e-01, v1  }
0x5b: {  	s17 =	smax.f32 s30, $9.999999960e-13;
	v1 =	vmul.f32 v53, v33;
	v39 =	vmul.f32 v0, v58;
	v32 =	vsub.s32 $0x5F3759DF, v62  }
0x5c: {  	s16 =	sshll.u32 s16, $0xD;
	v54 =	vmul.f32 v2, v60;
	v41 =	vmul.f32 v32, v37;
	v2 =	vmov s17  }
0x5d: {  	s16 =	sor.u32 $0x1900, s16;
	[tilespmem:s15+$0xF0] =	vst v38;
	s31 =	spop (v2sf);
	v40 =	vsub.f32 $1.500000000e+00, v39;
	v63 =	vshrl.u32 v2, $0x1;
	v38 =	vmul.f32 $5.000000000e-01, v2  }
0x5e: {  	s18 =	sadd.s32 $0x200, s15;
	[tilespmem:s15+$0xC0] =	vst v30;
	s17 =	simm.s32 $0x0;
	s19 =	smax.f32 s31, $9.999999960e-13;
	v2 =	vmul.f32 v52, v34;
	v41 =	vmul.f32 v32, v41;
	v39 =	vsub.s32 $0x5F3759DF, v63  }
.LBB2_3:
0x5f: {  	[tilespmem:$0x1FE90] =	vst v51;
	v3 =	vld [tilespmem:s18+$0xC0]  }
0x60: {  	[tilespmem:$0x1FEA0] =	vst v59;
	v55 =	vmul.f32 v0, v40;
	v59 =	vld [tilespmem:s18+$0xD0]  }
0x61: {  	[tilespmem:$0x1FEF0] =	vst v49;
	v0 =	vmov s19;
	v49 =	vld [tilespmem:s18+$0xFFFFFF10];
	v56 =	vmul.f32 v54, v35;
	v11 =	vmul.f32 v39, v38  }
0x62: {  	[tilespmem:$0x1FEB0] =	vst v61;
	v61 =	vld [tilespmem:s18+$0xE0];
	v41 =	vsub.f32 $1.500000000e+00, v41;
	v12 =	vshrl.u32 v0, $0x1;
	v0 =	vmul.f32 $5.000000000e-01, v0  }
0x63: {  	[tilespmem:$0x1FF10] =	vst v47;
	v47 =	vld [tilespmem:s18+$0xFFFFFF40];
	v1 =	vmul.f32 v1, v53;
	v2 =	vmul.f32 v2, v52  }
0x64: {  	[tilespmem:$0x1FED0] =	vst v42;
	v6 =	vld [tilespmem:s18+$0xF0];
	v42 =	vsub.s32 $0x5F3759DF, v12;
	v57 =	vmul.f32 v55, v36;
	v62 =	vmul.f32 v32, v41  }
0x65: {  	[tilespmem:$0x1FEE0] =	vst v50;
	v50 =	vld [tilespmem:s18+$0xFFFFFF50];
	v40 =	vmul.f32 v39, v11;
	v13 =	vmul.f32 v42, v0  }
0x66: {  	[tilespmem:$0x1FEC0] =	vst v48;
	v51 =	vld [tilespmem:s18+$0xFFFFFF80];
	v57 =	vmul.f32 v57, v55;
	v58 =	vmul.f32 v62, v37  }
0x67: {  	[tilespmem:$0x1FF00] =	vst v45;
	v41 =	vmul.f32 v42, v13;
	v14 =	vmul.f32 v3, v3  }
0x68: {  	v48 =	vld [tilespmem:s18+$0xFFFFFF90];
	[tilespmem:$0x1FFA0] =	vst v3;
	v32 =	vmul.f32 v59, v59;
	v3 =	vmul.f32 v49, v49  }
0x69: {  	[tilespmem:$0x1FF70] =	vst v17;
	v45 =	vld [tilespmem:s18+$0xFFFFFFD0];
	v60 =	vsub.f32 $1.500000000e+00, v1;
	v9 =	vmul.f32 v61, v61;
	v10 =	vmul.f32 v47, v47  }
0x6a: {  	[tilespmem:$0x1FF20] =	vst v46;
	v40 =	vsub.f32 $1.500000000e+00, v40;
	v11 =	vmul.f32 v6, v6;
	v12 =	vmul.f32 v50, v50  }
0x6b: {  	v46 =	vld [tilespmem:s18+$0xFFFFFFC0];
	[tilespmem:$0x1FF90] =	vst v6;
	v6 =	vsub.f32 $1.500000000e+00, v2;
	v63 =	vmul.f32 v51, v51;
	v13 =	vmul.f32 v56, v54  }
0x6c: {  	[tilespmem:$0x1FF40] =	vst v44;
	v44 =	vld [tilespmem:s18+$0x0];
	v17 =	vmul.f32 v60, v53;
	v1 =	vsub.f32 $1.500000000e+00, v41;
	v8 =	vadd.f32 v32, v14  }
0x6d: {  	[tilespmem:$0x1FF30] =	vst v43;
	v43 =	vld [tilespmem:s18+$0x10];
	v4 =	vmul.f32 v39, v40;
	v7 =	vadd.f32 v12, v10;
	v14 =	vmul.f32 v48, v48  }
0x6e: {  	v60 =	vld [tilespmem:s18+$0xFFFFFFA0];
	v32 =	vmul.f32 v45, v45;
	v5 =	vmul.f32 v42, v1;
	v1 =	vadd.f32 v9, v8  }
0x6f: {  	v41 =	vld [tilespmem:s18+$0x50];
	v12 =	vsub.f32 $1.500000000e+00, v57;
	v6 =	vmul.f32 v6, v52;
	v33 =	vmul.f32 v17, v33  }
0x70: {  	v39 =	vld [tilespmem:s18+$0x80];
	v40 =	vmul.f32 v4, v38;
	v8 =	vmul.f32 v46, v46;
	v1 =	vadd.f32 v11, v1  }
0x71: {  	v42 =	vld [tilespmem:s18+$0x40];
	v9 =	vsub.f32 $1.500000000e+00, v13;
	v2 =	vmul.f32 v5, v0;
	v11 =	vmul.f32 v44, v44  }
0x72: {  	v10 =	vadd.f32 v14, v63;
	(xrf2) =	vadd.scan.msk.f32 $0xffff, v1;
	v1 =	vmul.f32 v58, v62;
	v58 =	vmul.f32 v40, v4;
	v40 =	vld [tilespmem:s18+$0x90]  }
0x73: {  	v8 =	vadd.f32 v32, v8;
	v32 =	vmul.f32 v43, v43;
	v63 =	vmul.f32 v2, v5;
	v2 =	vld [tilespmem:s18+$0xFFFFFF00]  }
0x74: {  	v57 =	vld [tilespmem:s18+$0xFFFFFFE0];
	v12 =	vmul.f32 v12, v55;
	v9 =	vmul.f32 v9, v54;
	v13 =	vsub.f32 $1.500000000e+00, v1  }
0x75: {  	v11 =	vadd.f32 v32, v11;
	v32 =	vmul.f32 v41, v41;
	v1 =	vld [tilespmem:s18+$0xFFFFFF20];
	v15 =	vsub.f32 $1.500000000e+00, v58  }
0x76: {  	v55 =	vld [tilespmem:s18+$0x60];
	v14 =	vmul.f32 v42, v42;
	v13 =	vmul.f32 v13, v62  }
0x77: {  	v16 =	vsub.f32 $1.500000000e+00, v63;
	v63 =	vld [tilespmem:s18+$0xFFFFFF60];
	v4 =	vmul.f32 v15, v4;
	v15 =	vmul.f32 v60, v60  }
0x78: {  	[tilespmem:$0x1FF80] =	vst v20;
	v58 =	vld [tilespmem:s18+$0x20];
	v14 =	vadd.f32 v32, v14;
	v32 =	vmul.f32 v40, v40;
	v20 =	vmul.f32 v2, v2  }
0x79: {  	v62 =	vld [tilespmem:s18+$0xFFFFFF30];
	v5 =	vmul.f32 v16, v5;
	v16 =	vmul.f32 v57, v57  }
0x7a: {  	v53 =	vmul.f32 v39, v39;
	v56 =	vmul.f32 v1, v1;
	v3 =	vadd.f32 v3, v20  }
0x7b: {  	v52 =	vld [tilespmem:s18+$0xA0];
	v10 =	vadd.f32 v15, v10;
	v8 =	vadd.f32 v16, v8;
	v16 =	vmul.f32 v55, v55  }
0x7c: {  	[tilespmem:$0x1FF50] =	vst v18;
	v0 =	vmul.f32 v5, v0;
	v18 =	vadd.f32 v32, v53;
	v3 =	vadd.f32 v56, v3;
	v56 =	vld [tilespmem:s18+$0xFFFFFF70];
	v32, _, _ =	vpop (xrf2)  }
0x7d: {  	v53 =	vmul.f32 v63, v63;
	v15 =	vmul.f32 v58, v58;
	(v2sf) =	vpush v32, $0xF  }
0x7e: {  	v30 =	vmovc v24;
	v24 =	vmov v21;
	v20 =	vmul.f32 v9, v35;
	v21 =	vmul.f32 v62, v62  }
0x7f: {  	v54 =	vld [tilespmem:s18+$0xFFFFFFB0];
	v14 =	vadd.f32 v16, v14;
	v16 =	vmul.f32 v12, v36;
	v0 =	vmul.f32 v0, v5  }
0x80: {  	[tilespmem:$0x1FF60] =	vst v25;
	v11 =	vadd.f32 v15, v11;
	v15 =	vmul.f32 v52, v52;
	v3 =	vadd.f32 v21, v3  }
0x81: {  	v25 =	vmovc v22;
	v7 =	vadd.f32 v53, v7;
	v53 =	vld [tilespmem:s18+$0xFFFFFFF0];
	v20 =	vmul.f32 v20, v9;
	v22 =	vmul.f32 v56, v56  }
0x82: {  	v35 =	vld [tilespmem:s18+$0x70];
	v32 =	vmovc v28;
	v28 =	vmov v23;
	v23 =	vmov v19;
	v19 =	vmul.f32 v6, v34;
	(xrf2) =	vadd.scan.msk.f32 $0xffff, v3  }
0x83: {  	v34 =	vld [tilespmem:s18+$0x30];
	v15 =	vadd.f32 v15, v18;
	v18 =	vmul.f32 v13, v37;
	v7 =	vadd.f32 v22, v7  }
0x84: {  	v21 =	vmul.f32 v54, v54;
	v37 =	vmul.f32 v4, v38  }
0x85: {  	v36 =	vld [tilespmem:s18+$0xB0];
	v0 =	vsub.f32 $1.500000000e+00, v0;
	v3 =	vmul.f32 v33, v17;
	v33 =	vmul.f32 v16, v12;
	(xrf2) =	vadd.scan.msk.f32 $0xffff, v7  }
0x86: {  	v38 =	vsub.f32 $1.500000000e+00, v20;
	v10 =	vadd.f32 v21, v10;
	v22 =	vmul.f32 v53, v53  }
0x87: {  	v16 =	vmul.f32 v18, v13;
	v3 =	vsub.f32 $1.500000000e+00, v3;
	v7 =	vsub.f32 $1.500000000e+00, v33;
	v33 =	vld [tilespmem:$0x1FFE0]  }
0x88: {  	v20 =	vld [tilespmem:$0x1FFC0];
	v21 =	vmul.f32 v34, v34;
	v8 =	vadd.f32 v22, v8;
	v22 =	vmul.f32 v35, v35  }
0x89: {  	v19 =	vmul.f32 v19, v6;
	v18 =	vmul.f32 v37, v4;
	v16 =	vsub.f32 $1.500000000e+00, v16  }
0x8a: {  	v3 =	vmul.f32 v3, v17;
	v11 =	vadd.f32 v21, v11;
	v21 =	vmul.f32 v36, v36;
	(xrf2) =	vadd.scan.msk.f32 $0xffff, v10  }
0x8b: {  	v19 =	vsub.f32 $1.500000000e+00, v19;
	v7 =	vmul.f32 v7, v12;
	v12 =	vmul.f32 v16, v13;
	v13 =	vld [tilespmem:$0x1FFF0]  }
0x8c: {  	v14 =	vadd.f32 v22, v14;
	v22 =	vmov v59;
	v59, _, _ =	vpop (xrf2);
	v10 =	vmul.f32 v3, v33;
	v33 =	vld [tilespmem:$0x1FE90];
	s23 =	spop (v2sf)  }
0x8d: {  	v20 =	vmul.f32 v31, v20;
	v17 =	vsub.f32 $1.500000000e+00, v18;
	(v2sf) =	vpush v59, $0xF;
	v59 =	vld [tilespmem:$0x1FFD0];
	s19 =	smax.f32 s23, $9.999999960e-13  }
0x8e: {  	v37 =	vmovc v2;
	v6 =	vmul.f32 v19, v6;
	v15 =	vadd.f32 v21, v15;
	v18 =	vmov s19  }
0x8f: {  	v21 =	vld [tilespmem:$0x1FFB0];
	(xrf2) =	vadd.scan.msk.f32 $0xffff, v8;
	v8 =	vmul.f32 v38, v9;
	v38, _, _ =	vpop (xrf2);
	v19 =	vshrl.u32 v18, $0x1;
	v18 =	vmul.f32 $5.000000000e-01, v18  }
0x90: {  	v0 =	vmul.f32 v0, v5;
	[tilespmem:s15+$0xE0] =	vst v20;
	(v2sf) =	vpush v38, $0xF;
	v38 =	vld [tilespmem:$0x1FEB0];
	v9 =	vsub.s32 $0x5F3759DF, v19  }
0x91: {  	v16 =	vld [tilespmem:$0x1FF60];
	[tilespmem:$0x1FFB0] =	vst v22;
	v22 =	vmov v61;
	v5 =	vmul.f32 v3, v13;
	v61 =	vmul.f32 v9, v18  }
0x92: {  	[tilespmem:$0x1FFE0] =	vst v37;
	v37 =	vmovc v1;
	(xrf2) =	vadd.scan.msk.f32 $0xffff, v11;
	v13 =	vld [tilespmem:$0x1FEE0];
	v11 =	vmul.f32 v3, v59;
	v3 =	vmul.f32 v3, v33  }
0x93: {  	[tilespmem:$0x1FFF0] =	vst v37;
	(xrf2) =	vadd.scan.msk.f32 $0xffff, v14;
	v14 =	vld [tilespmem:$0x1FF00]  }
0x94: {  	v59 =	vmov v47;
	v47, _, _ =	vpop (xrf2);
	v2 =	vmul.f32 v9, v61;
	[tilespmem:s15+$0xFFFFFF30] =	vst v3;
	v3 =	vld [tilespmem:$0x1FEF0]  }
0x95: {  	[tilespmem:s15+$0xFFFFFF00] =	vst v10;
	(v2sf) =	vpush v47, $0xF;
	v10 =	vmul.f32 v6, v38;
	v38 =	vld [tilespmem:$0x1FF20]  }
0x96: {  	[tilespmem:$0x1FFC0] =	vst v22;
	v1 =	vsub.f32 $1.500000000e+00, v2;
	v2 =	vld [tilespmem:$0x1FEA0]  }
0x97: {  	v4 =	vmul.f32 v17, v4;
	[tilespmem:s15+$0xFFFFFF20] =	vst v5;
	v5 =	vmul.f32 v8, v13;
	v61 =	vmov v49;
	v49 =	vld [tilespmem:$0x1FEC0]  }
0x98: {  	v21 =	vmul.f32 v31, v21;
	v16 =	vmul.f32 v0, v16;
	[tilespmem:$0x1FFD0] =	vst v61;
	v61 =	vld [tilespmem:$0x1FED0]  }
0x99: {  	v37 =	vld [tilespmem:$0x1FF10];
	[tilespmem:s15+$0xFFFFFF80] =	vst v5;
	v5 =	vmul.f32 v12, v24;
	v1 =	vmul.f32 v9, v1  }
0x9a: {  	v22 =	vmovc v42;
	(xrf2) =	vadd.scan.msk.f32 $0xffff, v15;
	v47 =	vmov v46;
	v46 =	vld [tilespmem:$0x1FF30];
	v9 =	vmul.f32 v8, v14;
	v3 =	vmul.f32 v8, v3  }
0x9b: {  	v42 =	vmov v56;
	v33, _, _ =	vpop (xrf2);
	[tilespmem:s15+$0xFFFFFF50] =	vst v10;
	v13 =	vmul.f32 v1, v18;
	v10 =	vmul.f32 v7, v38  }
0x9c: {  	[tilespmem:s15+$0xFFFFFF10] =	vst v11;
	(v2sf) =	vpush v33, $0xF;
	v2 =	vmul.f32 v6, v2;
	v11 =	vmul.f32 v6, v49;
	v49 =	vmovc v48  }
0x9d: {  	v38 =	vld [tilespmem:$0x1FF50];
	v48 =	vmovc v63;
	[tilespmem:s15+$0xFFFFFF90] =	vst v3;
	v63 =	vmul.f32 v4, v32;
	v6 =	vmul.f32 v6, v61;
	v61 =	vmov v50  }
0x9e: {  	v3 =	vld [tilespmem:$0x1FF40];
	v50 =	vmov v51;
	v13 =	vmul.f32 v13, v1;
	v51, _, _ =	vpop (xrf2);
	[tilespmem:s15+$0xFFFFFF40] =	vst v2;
	v2 =	vmul.f32 v8, v29  }
0x9f: {  	v8 =	vmul.f32 v7, v37;
	[tilespmem:s15+$0xFFFFFF60] =	vst v11;
	v11 =	vmul.f32 v7, v46;
	v46 =	vmovc v45;
	(v2sf) =	vpush v51, $0xF  }
0xa0: {  	v51 =	vmovc v62;
	v62 =	vmul.f32 v4, v25;
	[tilespmem:s15+$0xFFFFFF70] =	vst v6;
	v6 =	vmul.f32 v7, v27;
	v15 =	vsub.f32 $1.500000000e+00, v13  }
0xa1: {  	v56 =	vld [tilespmem:$0x1FF80];
	s24 =	spop (v2sf);
	v45 =	vmov v60;
	v60, _, _ =	vpop (xrf2);
	v7 =	vmul.f32 v12, v23;
	[tilespmem:s15+$0xFFFFFFB0] =	vst v2;
	v2 =	vmul.f32 v4, v28  }
0xa2: {  	[tilespmem:s15+$0xD0] =	vst v21;
	s19 =	smax.f32 s24, $9.999999960e-13;
	(v2sf) =	vpush v60, $0xF;
	v4 =	vmul.f32 v4, v30;
	v1 =	vmul.f32 v15, v1  }
0xa3: {  	[tilespmem:s15+$0xFFFFFFD0] =	vst v10;
	v23 =	vmovc v41;
	v37 =	vmov s19;
	v10 =	vmul.f32 v0, v38;
	s25 =	spop (v2sf);
	v3 =	vmul.f32 v12, v3  }
0xa4: {  	[tilespmem:s15+$0x90] =	vst v16;
	v41 =	vld [tilespmem:$0x1FF70];
	v20 =	vshrl.u32 v37, $0x1;
	v12 =	vmul.f32 v12, v26;
	s19 =	smax.f32 s25, $9.999999960e-13;
	v33 =	vmul.f32 v1, v18;
	v15, _, _ =	vpop (xrf2);
	s26 =	spop (v2sf)  }
0xa5: {  	v25 =	vmovc v40;
	v28 =	vmovc v55;
	v40 =	vsub.s32 $0x5F3759DF, v20;
	[tilespmem:s15+$0x0] =	vst v7;
	v55 =	vmov s19;
	(v2sf) =	vpush v15, $0xF;
	s19 =	smax.f32 s26, $9.999999960e-13  }
0xa6: {  	v19 =	vmovc v44;
	v7 =	vmul.f32 v0, v56;
	[tilespmem:s15+$0x20] =	vst v3;
	v14 =	vmul.f32 v33, v1;
	v3 =	vmov s19  }
0xa7: {  	v44 =	vmovc v58;
	v24 =	vmovc v35;
	[tilespmem:s15+$0x10] =	vst v5;
	v33 =	vmul.f32 $5.000000000e-01, v37;
	v58 =	vshrl.u32 v3, $0x1;
	v35 =	vmul.f32 $5.000000000e-01, v3;
	v3 =	vld [tilespmem:$0x1FF90]  }
0xa8: {  	v21 =	vmovc v43;
	[tilespmem:s15+$0xFFFFFFA0] =	vst v9;
	v26 =	vmovc v34;
	v34 =	vmul.f32 $5.000000000e-01, v55;
	v15 =	vshrl.u32 v55, $0x1;
	v14 =	vsub.f32 $1.500000000e+00, v14  }
0xa9: {  	v43 =	vmovc v57;
	[tilespmem:s15+$0xFFFFFFF0] =	vst v6;
	v6 =	vmul.f32 v0, v41;
	v57 =	vsub.s32 $0x5F3759DF, v15;
	v0 =	vmul.f32 v40, v33  }
0xaa: {  	[tilespmem:s15+$0xFFFFFFC0] =	vst v8;
	v8 =	vsub.s32 $0x5F3759DF, v58;
	v31 =	vmul.f32 v14, v1;
	v1 =	vmul.f32 v57, v34  }
0xab: {  	[tilespmem:s15+$0x50] =	vst v2;
	s28 =	spop (v2sf);
	v2 =	vmul.f32 v8, v35;
	v0 =	vmul.f32 v40, v0  }
0xac: {  	[tilespmem:s15+$0x40] =	vst v62;
	v62 =	vld [tilespmem:$0x1FFA0];
	s19 =	smax.f32 s28, $9.999999960e-13;
	v3 =	vmul.f32 v31, v3;
	v1 =	vmul.f32 v57, v1  }
0xad: {  	[tilespmem:s15+$0x60] =	vst v63;
	v60 =	vmov s19;
	v2 =	vmul.f32 v8, v2;
	v0 =	vsub.f32 $1.500000000e+00, v0  }
0xae: {  	v20 =	vmovc v36;
	v36 =	vmul.f32 $5.000000000e-01, v60;
	[tilespmem:s18+$0xF0] =	vst v3;
	v1 =	vsub.f32 $1.500000000e+00, v1;
	v3 =	vshrl.u32 v60, $0x1;
	s29 =	spop (v2sf)  }
0xaf: {  	s17 =	sadd.s32 $0x8, s17;
	v27 =	vmovc v53;
	[tilespmem:s15+$0xFFFFFFE0] =	vst v11;
	v2 =	vsub.f32 $1.500000000e+00, v2;
	v53 =	vmul.f32 v40, v0;
	v0 =	vsub.s32 $0x5F3759DF, v3;
	s19 =	smax.f32 s29, $9.999999960e-13  }
0xb0: {  	p1 =	slt.u32 s17, $0x78;
	v17 =	vmovc v52;
	[tilespmem:s15+$0x70] =	vst v4;
	v52 =	vmul.f32 v57, v1;
	v3 =	vmul.f32 v0, v36;
	v1 =	vmov s19  }
.Ltmp0:
0xb1: {  	[tilespmem:s15+$0x30] =	vst v12;
	v12 =	vmul.f32 v31, v62;
	s30 =	spop (v2sf);
	v63 =	vshrl.u32 v1, $0x1;
	v37 =	vmul.f32 $5.000000000e-01, v1;
	(pc) =	sbr.rel @p1 .LBB2_3-.Ltmp0, $4  }
0xb2: {  	v29 =	vmovc v54;
	[tilespmem:s15+$0x80] =	vst v10;
	v54 =	vmul.f32 v8, v2;
	s19 =	smax.f32 s30, $9.999999960e-13;
	v3 =	vmul.f32 v0, v3;
	v32 =	vsub.s32 $0x5F3759DF, v63  }
0xb3: {  	[tilespmem:s15+$0xB0] =	vst v7;
	v1 =	vmul.f32 v53, v33;
	v2 =	vmov s19;
	v4 =	vmul.f32 v32, v37  }
0xb4: {  	[tilespmem:s15+$0xA0] =	vst v6;
	v38 =	vmul.f32 $5.000000000e-01, v2;
	v40 =	vsub.f32 $1.500000000e+00, v3;
	v3 =	vshrl.u32 v2, $0x1;
	s31 =	spop (v2sf)  }
0xb5: {  	v18 =	vmovc v39;
	s15 =	smov.u32 s18;
	[tilespmem:s18+$0xC0] =	vst v12;
	s18 =	sadd.s32 $0x200, s18;
	v2 =	vmul.f32 v52, v34;
	v41 =	vmul.f32 v32, v4;
	v39 =	vsub.s32 $0x5F3759DF, v3;
	s19 =	smax.f32 s31, $9.999999960e-13  }
0xb6: {  	v5 =	vmul.f32 v39, v38;
	v0 =	vmul.f32 v0, v40  }
0xb7: {  	v3 =	vmov s19;
	v1 =	vmul.f32 v1, v53;
	v8 =	vmul.f32 v54, v35  }
0xb8: {  	v4 =	vshrl.u32 v3, $0x1;
	v3 =	vmul.f32 $5.000000000e-01, v3;
	v7 =	vsub.f32 $1.500000000e+00, v41  }
0xb9: {  	v14 =	vld [tilespmem:$0x1FFB0];
	v2 =	vmul.f32 v2, v52;
	v4 =	vsub.s32 $0x5F3759DF, v4;
	v5 =	vmul.f32 v39, v5  }
0xba: {  	v15 =	vld [tilespmem:$0x1FFC0];
	v9 =	vmul.f32 v0, v36;
	v1 =	vsub.f32 $1.500000000e+00, v1;
	v8 =	vmul.f32 v8, v54  }
0xbb: {  	v6 =	vmul.f32 v4, v3;
	v7 =	vmul.f32 v32, v7  }
0xbc: {  	v2 =	vsub.f32 $1.500000000e+00, v2;
	v1 =	vmul.f32 v1, v53;
	v9 =	vmul.f32 v9, v0  }
0xbd: {  	v5 =	vsub.f32 $1.500000000e+00, v5;
	v6 =	vmul.f32 v4, v6;
	v58 =	vmul.f32 v7, v37  }
0xbe: {  	v8 =	vsub.f32 $1.500000000e+00, v8;
	v2 =	vmul.f32 v2, v52;
	v14 =	vmul.f32 v31, v14  }
0xbf: {  	v15 =	vmul.f32 v31, v15;
	v12 =	vmul.f32 v1, v33  }
0xc0: {  	v5 =	vmul.f32 v39, v5;
	v8 =	vmul.f32 v8, v54  }
0xc1: {  	v9 =	vsub.f32 $1.500000000e+00, v9;
	v13 =	vmul.f32 v2, v34;
	[tilespmem:s15+$0xD0] =	vst v14;
	v12 =	vmul.f32 v12, v1  }
0xc2: {  	v6 =	vsub.f32 $1.500000000e+00, v6;
	v10 =	vmul.f32 v5, v38;
	v60 =	vmul.f32 v8, v35;
	v63 =	vld [tilespmem:$0x1FFE0];
	[tilespmem:s15+$0xE0] =	vst v15  }
0xc3: {  	v0 =	vmul.f32 v9, v0;
	v13 =	vmul.f32 v13, v2;
	v14 =	vld [tilespmem:$0x1FFD0];
	v12 =	vsub.f32 $1.500000000e+00, v12  }
0xc4: {  	v4 =	vmul.f32 v4, v6;
	v6 =	vmul.f32 v58, v7  }
0xc5: {  	v16 =	vmul.f32 v0, v36;
	v62 =	vsub.f32 $1.500000000e+00, v13;
	v1 =	vmul.f32 v12, v1  }
0xc6: {  	v11 =	vmul.f32 v4, v3;
	v12 =	vmul.f32 v60, v8  }
0xc7: {  	v2 =	vmul.f32 v62, v2;
	v13 =	vmul.f32 v1, v63  }
0xc8: {  	v6 =	vsub.f32 $1.500000000e+00, v6;
	v32 =	vmul.f32 v16, v0;
	v14 =	vmul.f32 v1, v14  }
0xc9: {  	v11 =	vmul.f32 v11, v4;
	v30 =	vsub.f32 $1.500000000e+00, v12;
	v31 =	vmul.f32 v2, v59;
	[tilespmem:s15+$0xFFFFFF00] =	vst v13  }
0xca: {  	v6 =	vmul.f32 v6, v7;
	v33 =	vmul.f32 v2, v61;
	v15 =	vld [tilespmem:$0x1FFF0];
	[tilespmem:s15+$0xFFFFFF10] =	vst v14  }
0xcb: {  	v35 =	vmul.f32 v2, v48;
	v7 =	vmul.f32 v30, v8;
	[tilespmem:s15+$0xFFFFFF40] =	vst v31  }
0xcc: {  	v36 =	vmul.f32 v6, v37;
	v2 =	vmul.f32 v2, v42;
	[tilespmem:s15+$0xFFFFFF50] =	vst v33  }
0xcd: {  	v10 =	vmul.f32 v10, v5;
	v37 =	vsub.f32 $1.500000000e+00, v32;
	[tilespmem:s15+$0xFFFFFF60] =	vst v35;
	v39 =	vmul.f32 v7, v50  }
0xce: {  	v42 =	vsub.f32 $1.500000000e+00, v11;
	v40 =	vmul.f32 v36, v6;
	[tilespmem:s15+$0xFFFFFF70] =	vst v2;
	v41 =	vmul.f32 v7, v49  }
0xcf: {  	v0 =	vmul.f32 v37, v0;
	v45 =	vmul.f32 v7, v45;
	[tilespmem:s15+$0xFFFFFF80] =	vst v39  }
0xd0: {  	v2 =	vmul.f32 v42, v4;
	v7 =	vmul.f32 v7, v29;
	[tilespmem:s15+$0xFFFFFF90] =	vst v41  }
0xd1: {  	v50 =	vmul.f32 v0, v47;
	v52 =	vmul.f32 v0, v46;
	[tilespmem:s15+$0xFFFFFFA0] =	vst v45  }
0xd2: {  	v49 =	vsub.f32 $1.500000000e+00, v40;
	v53 =	vmul.f32 v0, v43;
	v3 =	vmul.f32 v2, v3;
	[tilespmem:s15+$0xFFFFFFB0] =	vst v7  }
0xd3: {  	v34 =	vsub.f32 $1.500000000e+00, v10;
	[tilespmem:s15+$0xFFFFFFC0] =	vst v50;
	v9 =	vmul.f32 v1, v15;
	v1 =	vmul.f32 v1, v51  }
0xd4: {  	v0 =	vmul.f32 v0, v27;
	v4 =	vmul.f32 v49, v6;
	[tilespmem:s15+$0xFFFFFFD0] =	vst v52  }
0xd5: {  	v3 =	vmul.f32 v3, v2;
	[tilespmem:s15+$0xFFFFFF30] =	vst v1;
	v1 =	vmul.f32 v34, v5  }
0xd6: {  	[tilespmem:s15+$0xFFFFFFE0] =	vst v53  }
0xd7: {  	[tilespmem:s15+$0xFFFFFFF0] =	vst v0;
	v54 =	vmul.f32 v4, v19;
	v3 =	vsub.f32 $1.500000000e+00, v3;
	v48 =	vmul.f32 v1, v38  }
0xd8: {  	v55 =	vmul.f32 v4, v21;
	v57 =	vmul.f32 v4, v44;
	[tilespmem:s15+$0xFFFFFF20] =	vst v9  }
0xd9: {  	[tilespmem:s15+$0x0] =	vst v54;
	v2 =	vmul.f32 v3, v2;
	v51 =	vmul.f32 v48, v1  }
0xda: {  	v4 =	vmul.f32 v4, v26;
	[tilespmem:s15+$0x10] =	vst v55  }
0xdb: {  	[tilespmem:s15+$0x20] =	vst v57;
	v60 =	vmul.f32 v2, v18;
	v5 =	vsub.f32 $1.500000000e+00, v51  }
0xdc: {  	[tilespmem:s15+$0x30] =	vst v4;
	v61 =	vmul.f32 v2, v25  }
0xdd: {  	v62 =	vmul.f32 v2, v17;
	[tilespmem:s15+$0x80] =	vst v60;
	v56 =	vmul.f32 v5, v1  }
0xde: {  	v63 =	vmul.f32 v2, v20;
	[tilespmem:s15+$0x90] =	vst v61  }
0xdf: {  	[tilespmem:s15+$0xA0] =	vst v62;
	v5 =	vmul.f32 v56, v22  }
0xe0: {  	[tilespmem:s15+$0xB0] =	vst v63;
	v58 =	vmul.f32 v56, v23  }
0xe1: {  	s14 =	sshll.u32 s14, $0xD;
	v59 =	vmul.f32 v56, v28;
	[tilespmem:s15+$0x40] =	vst v5  }
0xe2: {  	s14 =	sadd.s32 s6, s14;
	v0 =	vmul.f32 v56, v24;
	[tilespmem:s15+$0x50] =	vst v58  }
0xe3: {  	p1 =	sne.s32 s13, $0x32;
	s14 =	sshrl.u32 s14, $0x3;
	[tilespmem:s15+$0x60] =	vst v59  }
.Ltmp1:
0xe4: {  	s14 =	sadd.s32 s2, s14;
	[tilespmem:s15+$0x70] =	vst v0;
	(pc) =	sbr.rel @p1 .LBB2_2-.Ltmp1, $4  }
0xe5: {  	[hbm4b:s14+s3] =	stream.linear.scatter [tilespmem:s16], [sflag:$0x2], $0x2000, $0x38;
	[tilespmem:$0x5900] =	vst v63  }
0xe6: {  	_ =	swait.ge [sflag:s8], $0x2000  }
0xe7: {  	[sflag:s8] =	ssyncset.done $0x0  }
0xe8: {  	p0 =	por !p0, !p0;
	s14 =	smov.u32 s13;
	[sflag:s8] =	ssyncadd.s32 $0xFFFFE000  }
0xe9: {  	s12 =	sadd.s32 $0x1, s12  }
0xea: {  	p0 =	sne.s32 s12, s7  }
.Ltmp2:
0xeb: {  	_ = 	snop;
	(pc) =	sbr.rel @p0 .LBB2_1-.Ltmp2, $1  }
0xec: {  	_ =	sdelay $0x3  }
0xed: {  	_ =	sfence.sel $0x180000  }
0xee: {  	[bflag:$0x0] =	sbarrier.arrive $0xFFFF  }
0xef: {  	p0 =	sne.s32 s0, $0x0;
	_ =	strace $0x90000047  }
0xf0: {  	s0 =	sadd.s32 @!p0 $0x100000, s1;
	[bflag:$0x2] =	sbarrier.arrive $0xFFFF  }
0xf1: {  	[sflag:s0] =	ssyncadd.tile.s32 @!p0 $0x1;
	_ =	shalt  }
.Lfunc_end2:
_tile_overlayer_lowered:
.L_overlay_start_2:
0xf2: {  	(tag) =	ssettag $0x2  }
0xf3: {  	s0 =	rddreg [dreg:$0x0];
	s2 =	stileid.u32  }
0xf4: {  	s1 =	rddreg [dreg:$0x1];
	p0 =	sne.s32 s2, $0x0  }
0xf5: {  	s3 =	rddreg [dreg:$0x2];
	[bflag:$0x3] =	sbarrier.arrive $0xFFFF;
	s2 =	simm.s32 @!p0 $0x1C02  }
0xf6: {  	[timem:s3], [sflag:s2] =	dma.local @!p0 [hbm:s0], s1  }
0xf7: {  	s0 =	simm.s32 @!p0 $0x2  }
0xf8: {  	_ =	swait.ge @!p0 [sflag:s0], s1  }
0xf9: {  	s1 =	ssub.s32 @!p0 $0x0, s1;
	[sflag:s0] =	ssyncset.done @!p0 $0x0  }
0xfa: {  	[sflag:s0] =	ssyncadd.s32 @!p0 s1  }
0xfb: {  	[bflag:$0x3] =	sbarrier.arrive $0xFFFF  }
0xfc: {  	_ =	shalt  }

// kernel: sparse-core-data-format-call.cloned.1.call-start
scs
called_computation_lowered:
.L_overlay_start_0:
0x0: {  	s2 =	sld [smem:$0x3FD9]  }
0x1: {  	s3 =	sld [smem:$0x3FFE];
	_ =	sdelay $0x1  }
0x2: {  	s1 =	srdreg.scid  }
0x3: {  	s0 =	sand.u32 $0x1, s1  }
0x4: {  	s18 =	sshll.u32 s0, $0xA;
	s2 =	sadd.s32 s3, s2  }
0x5: {  	s2 =	sadd.s32 s2, s18  }
0x6: {  	[smem:$0x3FC6] =	sst s2  }
0x7: {  	_ = 	snop  }
0x8: {  	s2 =	sld [smem:$0x3FD0];
	(tm) =	ssettm $0x1  }
0x9: {  	s19 =	sld [smem:$0x3FFB];
	_ =	sdelay $0x3  }
0xa: {  	_ =	strace s19  }
0xb: {  	s3 =	sld [smem:$0x3FFC];
	_ =	sdelay $0x3  }
0xc: {  	_ =	strace s3  }
0xd: {  	s3 =	sld [smem:$0x3FFD];
	_ =	sdelay $0x3  }
0xe: {  	_ =	strace s3  }
0xf: {  	_ =	strace $0x8FFFFFFF  }
0x10: {  	s20 =	sld [smem:$0x3FDB];
	_ =	sdelay $0x1  }
0x11: {  	s4 =	simm.s32 $_scs_section_size  }
0x12: {  	s5 =	simm.s32 $_size__tile_overlayer_lowered;
	s6 =	simm.s32 $_tile_overlayer_lowered  }
0x13: {  	s23 =	simm.s32 $0x1BFF;
	s22 =	sshll.u32 s6, $0x1;
	s3 =	sadd.s32 s4, s20  }
0x14: {  	s7 =	simm.s32 $0x0;
	s21 =	sshll.u32 s5, $0x1;
	s5 =	sadd.s32 s22, s3  }
0x15: {  	[timem:s7], [sflag:s23] =	dma.local [hbm:s5], s21  }
0x16: {  	_ =	swait.ge [sflag:s23], s21  }
0x17: {  	s4 =	ssub.s32 $0x0, s21;
	[sflag:s23] =	ssyncset.done $0x0  }
0x18: {  	[sflag:s23] =	ssyncadd.s32 s4;
	_ =	sdelay $0x1  }
0x19: {  	s24 =	simm.s32 $0x1B8B  }
0x1a: {  	_ =	swait.ge [sflag:s24], $0x1  }
0x1b: {  	[sflag:s24] =	ssyncset.done $0x0  }
0x1c: {  	s26 =	simm.s32 $0x1B8E;
	s25 =	sld [smem:$0x3FFE];
	[sflag:s24] =	ssyncadd.s32 $0xFFFFFFFF  }
0x1d: {  	s27 =	simm.s32 $execute0_lowered;
	[smem:$0x3FD2] =	sst s26  }
0x1e: {  	s5 =	sshll.u32 s27, $0x1;
	_ =	strace $0x80000049;
	[dreg:$0x1] =	wrdreg $0xFFFFFFFF  }
0x1f: {  	s28 =	simm.s32 $_size_execute0_lowered;
	s3 =	sadd.s32 s3, s5;
	[dreg:$0x0] =	wrdreg $0x0  }
0x20: {  	s5 =	sshll.u32 s28, $0x1;
	[dreg:$0x2] =	wrdreg s3  }
0x21: {  	[dreg:$0x3] =	wrdreg s5  }
0x22: {  	[dreg:$0x4] =	wrdreg $0xC0  }
0x23: {  	_ =	task [dreg:s7], $0x5FFFF  }
0x24: {  	[dreg:$0x1] =	wrdreg $0xFFFFFFFF  }
0x25: {  	[dreg:$0x0] =	wrdreg $0x60  }
0x26: {  	[dreg:$0x2] =	wrdreg s25  }
0x27: {  	[dreg:$0x3] =	wrdreg s2  }
0x28: {  	[dreg:$0x4] =	wrdreg $0x9  }
0x29: {  	_ =	task.clear_ibuf [dreg:s7], $0x5FFFF;
	_ =	strace $0x90000049  }
0x2a: {  	s29 =	simm.s32 $0x9;
	_ =	strace $0x8000004B  }
0x2b: {  	_ =	swait.ge [sflag:s29], $0x1  }
0x2c: {  	[sflag:s29] =	ssyncadd.s32 $0xFFFFFFFF  }
0x2d: {  	_ =	strace $0x9000004B  }
0x2e: {  	_ =	sfence  }
0x2f: {  	s30 =	sld [smem:$0x0];
	_ =	sdelay $0x2  }
0x30: {  	s31 =	sshll.u32 s1, $0xD;
	s1 =	sshrl.u32 s1, $0x2  }
0x31: {  	s3 =	sand.u32 $0x4000, s31;
	s1 =	sadd.s32 s1, s30  }
0x32: {  	s0 =	sor.u32 s3, s0;
	s1 =	sshll.u32 s1, $0x11  }
0x33: {  	s0 =	sor.u32 s1, s0  }
0x34: {  	s0 =	sadd.s32 $0x8F2B, s0  }
0x35: {  	[sflag:s0] =	ssyncadd.remote.s32 $0x1  }
0x36: {  	_ =	sfence.sel $0xFFFF  }
0x37: {  	[dreg:$0x0] =	wrdreg $0xFFFFFFFF;
	(pc) =	sbr.abs _section_cstart, $3  }
0x38: {  	[dreg:$0x1] =	wrdreg $0xFFFFFFFF  }
0x39: {  	_ =	task.clear_ibuf [dreg:s7], $0x2FFFF;
	_ =	strace $0x9FFFFFFF  }
0x3a: {  	(tm) =	ssettm $0x7FFFFFFF  }
0x3b: {  	_ =	shalt  }
tec
execute0_lowered:
.L_overlay_start_1:
0x0: {  	(tag) =	ssettag $0x1  }
0x1: {  	s0 =	srdreg.scid  }
0x2: {  	s1 =	sshll.u32 s0, $0x4  }
0x3: {  	s0 =	stileid.u32;
	s1 =	sand.u32 $0x10, s1  }
0x4: {  	s1 =	sor.u32 s0, s1  }
0x5: {  	s6 =	rddreg [dreg:$0x0];
	s4 =	simm.s32 $0x1;
	s2 =	sshll.u32 s1, $0x7  }
0x6: {  	s7 =	simm.s32 $0x2;
	s12 =	simm.s32 $0x0;
	s1 =	ssub.s32 $0x1000, s2  }
0x7: {  	s8 =	simm.s32 $0x8000;
	s13 =	simm.s32 $0x0;
	s3 =	sand.u32 $0xF80, s1  }
0x8: {  	s9 =	simm.s32 $0x0;
	s5 =	sshrl.u32 s1, $0xC;
	p0 =	sne.s32 s3, $0x0  }
.Ltmp0:
0x9: {  	s1 =	rddreg [dreg:$0x2];
	s4 =	simm.s32 @!p0 $0x0;
	(pc) =	sbr.rel .LBB1_1-.Ltmp0, $4  }
0xa: {  	s11 =	simm.s32 $0x0;
	s3 =	rddreg [dreg:$0x1];
	s5 =	sadd.s32 s4, s5  }
0xb: {  	_ =	strace $0x8000004A;
	s4 =	simm.s32 $0x1;
	s5 =	smul.u32 $0x32, s5  }
0xc: {  	s6 =	sadd.s32 $0xA00, s6;
	s10 =	smov.u32 s2;
	[sflag:s4] =	ssyncpa.u1 $0x0  }
0xd: {  	p0 =	por $0x0, $0x0;
	[sflag:s7] =	ssyncpa.u1 $0x0;
	s7 =	sor.u32 $0x1, s5  }
.LBB1_4:
0xe: {  	s16 =	sshll.u32 s13, $0x3;
	s17 =	sand.u32 $0x78, s13  }
0xf: {  	s30 =	sand.u32 $0x7E00, s13;
	s12 =	sshll.u32 s12, $0xF;
	s16 =	sand.u32 $0xC00, s16  }
0x10: {  	[tilespmem:s15+$0x810 ss:$0x81] =	vst.msk $0xffff, v2;
	s31 =	sand.u32 $0x7, s13;
	s16 =	sor.u32 s17, s16;
	s17 =	sadd.s32 s3, s30  }
0x11: {  	[tilespmem:s15+$0x1020 ss:$0x81] =	vst.msk $0xffff, v0;
	s13 =	sshll.u32 s31, $0x12;
	s12 =	sadd.s32 s12, s17;
	s16 =	sshrl.u32 s16, $0x3  }
0x12: {  	[tilespmem:s15+$0x0 ss:$0x81] =	vst.msk $0xffff, v1;
	s13 =	sor.u32 $0x400, s13;
	s12 =	sadd.s32 s16, s12  }
0x13: {  	[hbm4b:s12+s13] =	stream.strided.scatter [tilespmem:s14], [sflag:$0x2], $0x2000, s8, s13, $0x20;
	[tilespmem:$0x8080] =	vst v63  }
.LBB1_5:
0x14: {  	s14 =	sadd.s32 $0x1, s9  }
0x15: {  	s12 =	sadd.s32 $0x1000, s10;
	s16 =	smov.u32 s10;
	p2 =	sgt.s32 s14, $0x31  }
0x16: {  	s16 =	smov.u32 @p2 s12  }
0x17: {  	s14 =	simm.s32 @p2 $0x0;
	p2 =	sgt.s32 s16, $0xFFF  }
0x18: {  	s16 =	smov.u32 @p2 s2;
	p2 =	sne.s32 s11, s7  }
.Ltmp1:
0x19: {  	p1 =	slt.u32 s11, $0x2;
	(pc) =	sbr.rel @!p2 .LBB1_6-.Ltmp1, $4  }
0x1a: {  	s15 =	simm.s32 @!p1 $0x2  }
0x1b: {  	s13 =	smov.u32 s10;
	p0 =	por !p0, !p0;
	_ =	swait.ge @!p1 [sflag:s15], $0x2000  }
0x1c: {  	s12 =	smov.u32 s9;
	[sflag:s15] =	ssyncset.done @!p1 $0x0;
	s9 =	smov.u32 s14  }
0x1d: {  	s11 =	sadd.s32 $0x1, s11;
	[sflag:s15] =	ssyncadd.s32 @!p1 $0xFFFFE000;
	s10 =	smov.u32 s16  }
.LBB1_1:
0x1e: {  	p1 =	sge.u32 s11, s5  }
0x1f: {  	s14 =	sand.u32 @!p1 $0x1FFFFFF, s9  }
0x20: {  	s15 =	smulhi.u32 @!p1 $0x4924925, s14;
	_ =	sdelay $0x1  }
0x21: {  	s15 =	smul.u32 @!p1 $0x38, s15  }
0x22: {  	s16 =	sxor.u32 @!p1 $0xFFFFFFFF, s11;
	s17 =	smul.u32 @!p1 $0x380, s10  }
0x23: {  	s31 =	sadd.s32 $0xFFFFFFFF, s11;
	s16 =	sshll.u32 @!p1 s16, $0xD;
	s14 =	ssub.s32 @!p1 s14, s15  }
0x24: {  	s15 =	sand.u32 @!p1 $0x2000, s16;
	s16 =	sadd.s32 @!p1 s6, s17;
	s14 =	sshll.u32 @!p1 s14, $0x4  }
0x25: {  	s17 =	simm.s32 @!p1 $0x1C00;
	s14 =	sadd.s32 @!p1 s14, s16;
	s16 =	simm.s32 @!p1 $0x40  }
0x26: {  	[tilespmem:s15], [sflag:$0x1] =	stream.strided.gather @!p1 [hbm4b:s14+s16], $0x2000, s17, s16, $0x38;
	[tilespmem:$0x8080] =	vst v63  }
0x27: {  	p1 =	sge.u32 s31, s5  }
.Ltmp2:
0x28: {  	_ = 	snop;
	(pc) =	sbr.rel @p1 .LBB1_5-.Ltmp2, $1  }
0x29: {  	_ =	sdelay $0x3  }
0x2a: {  	s14 =	simm.s32 $0x1  }
0x2b: {  	_ =	swait.ge [sflag:s4], $0x2000;
	s14 =	simm.s32 @!p0 $0x0  }
0x2c: {  	[sflag:s4] =	ssyncset.done $0x0;
	s15 =	sshll.u32 s14, $0xD  }
0x2d: {  	[sflag:s4] =	ssyncadd.s32 $0xFFFFE000;
	s18 =	sor.u32 $0x20, s15  }
0x2e: {  	s14 =	smul.u32 $0x8100, s14;
	v3 =	vld [tilespmem:s18+$0x10]  }
0x2f: {  	s30 =	sand.u32 $0x1, s11;
	v2 =	vld [tilespmem:s18+$0xFFFFFFF0]  }
0x30: {  	s15 =	smul.u32 $0x8100, s30;
	s14 =	sshrl.u32 s14, $0x2;
	v0 =	vld [tilespmem:s18+$0x0]  }
0x31: {  	v1 =	vld [tilespmem:s18+$0xFFFFFFE0];
	s16 =	sor.u32 $0x4000, s14  }
0x32: {  	s31 =	sshrl.u32 s15, $0x2;
	s15 =	sadd.s32 $0x0, s16  }
0x33: {  	s17 =	simm.s32 $0x4;
	s18 =	sadd.s32 $0x40, s18;
	s14 =	sor.u32 $0x4000, s31;
	[tilespmem:s15+$0x1830 ss:$0x81] =	vst.msk $0xffff, v3  }
.LBB1_3:
0x34: {  	v3 =	vld [tilespmem:s18+$0x10];
	p1 =	sne.s32 s17, $0x1FC;
	[tilespmem:s15+$0x810 ss:$0x81] =	vst.msk $0xffff, v2;
	s19 =	smov.u32 s17;
	s17 =	sadd.s32 $0x4, s17  }
.Ltmp3:
0x35: {  	v2 =	vld [tilespmem:s18+$0xFFFFFFF0];
	[tilespmem:s15+$0x1020 ss:$0x81] =	vst.msk $0xffff, v0;
	(pc) =	sbr.rel @p1 .LBB1_3-.Ltmp3, $4  }
0x36: {  	v0 =	vld [tilespmem:s18+$0x0];
	[tilespmem:s15+$0x0 ss:$0x81] =	vst.msk $0xffff, v1  }
0x37: {  	s15 =	sshra.s32 s19, $0x2;
	v1 =	vld [tilespmem:s18+$0xFFFFFFE0]  }
0x38: {  	s15 =	sadd.s32 s15, s16  }
0x39: {  	s18 =	sadd.s32 $0x40, s18;
	[tilespmem:s15+$0x1830 ss:$0x81] =	vst.msk $0xffff, v3  }
.Ltmp4:
0x3a: {  	_ = 	snop;
	(pc) =	sbr.rel .LBB1_4-.Ltmp4, $1  }
0x3b: {  	_ =	sdelay $0x3  }
.LBB1_6:
0x3c: {  	_ =	sfence.sel $0x180000  }
0x3d: {  	s2 =	simm.s32 $0x1;
	[bflag:$0x0] =	sbarrier.arrive $0xFFFF  }
0x3e: {  	s31 =	simm.s32 $0x2;
	[sflag:s2] =	ssyncpa.u1 $0x1  }
0x3f: {  	[sflag:s31] =	ssyncpa.u1 $0x1  }
0x40: {  	p0 =	sne.s32 s0, $0x0;
	_ =	strace $0x9000004A  }
0x41: {  	s0 =	sadd.s32 @!p0 $0x100000, s1;
	[bflag:$0x2] =	sbarrier.arrive $0xFFFF  }
0x42: {  	[sflag:s0] =	ssyncadd.tile.s32 @!p0 $0x1;
	_ =	shalt  }
.Lfunc_end1:
_tile_overlayer_lowered:
.L_overlay_start_2:
0x43: {  	(tag) =	ssettag $0x2  }
0x44: {  	s0 =	rddreg [dreg:$0x0];
	s2 =	stileid.u32  }
0x45: {  	s1 =	rddreg [dreg:$0x1];
	p0 =	sne.s32 s2, $0x0  }
0x46: {  	s3 =	rddreg [dreg:$0x2];
	[bflag:$0x3] =	sbarrier.arrive $0xFFFF;
	s2 =	simm.s32 @!p0 $0x1C01  }
0x47: {  	[timem:s3], [sflag:s2] =	dma.local @!p0 [hbm:s0], s1  }
0x48: {  	s0 =	simm.s32 @!p0 $0x1  }
0x49: {  	_ =	swait.ge @!p0 [sflag:s0], s1  }
0x4a: {  	s1 =	ssub.s32 @!p0 $0x0, s1;
	[sflag:s0] =	ssyncset.done @!p0 $0x0  }
0x4b: {  	[sflag:s0] =	ssyncadd.s32 @!p0 s1  }
0x4c: {  	[bflag:$0x3] =	sbarrier.arrive $0xFFFF  }
0x4d: {  	_ =	shalt  }

</sc_bundles>
